<compile_context>
chip_gen: v7x
topology: tpu7x:2x2x1
jax: 0.10.2.dev20260603
libtpu: 0.0.44.dev20260713+nightly
codegen_flags: <defaults>
</compile_context>

<pallas_src>
import functools

import jax
import jax.numpy as jnp
from jax import lax
from jax.experimental import pallas as pl
from jax.experimental.pallas import tpu as pltpu
from jax.experimental.pallas import tpu_sc as plsc

VOCAB = 100000
D_MODEL = 1024
N_IDS = 4 * 2048

_info = plsc.get_sparse_core_info()
_NC, _NS = _info.num_cores, _info.num_subcores
_NW = _NC * _NS
_B_PER_W = N_IDS // _NW
_CHUNK = 16
_N_CHUNKS = _B_PER_W // _CHUNK
_NBUF = 6
_K = 3


def _embed_body(ids_hbm, table_hbm, out_hbm, idx_v, rows_v, sem_g, sem_w):
    wid = lax.axis_index("s") * _NC + lax.axis_index("c")
    base = wid * _B_PER_W
    pltpu.sync_copy(ids_hbm.at[pl.ds(base, _B_PER_W)], idx_v)

    def start_gather(chunk, buf):
        pltpu.async_copy(
            table_hbm.at[idx_v.at[pl.ds(chunk * _CHUNK, _CHUNK)]],
            rows_v.at[buf],
            sem_g.at[buf],
        )

    def wait_gather(chunk, buf):
        pltpu.make_async_copy(
            table_hbm.at[idx_v.at[pl.ds(chunk * _CHUNK, _CHUNK)]],
            rows_v.at[buf],
            sem_g.at[buf],
        ).wait()

    def start_write(chunk, buf):
        pltpu.async_copy(
            rows_v.at[buf],
            out_hbm.at[pl.ds(base + chunk * _CHUNK, _CHUNK)],
            sem_w.at[buf],
        )

    def wait_write(chunk, buf):
        pltpu.make_async_copy(
            rows_v.at[buf],
            out_hbm.at[pl.ds(base + chunk * _CHUNK, _CHUNK)],
            sem_w.at[buf],
        ).wait()

    for b in range(_NBUF):
        start_gather(b, b)
    waited = set()
    for c in range(_N_CHUNKS):
        b = c % _NBUF
        j = c - _K
        nxt = j + _NBUF
        if j >= 0 and nxt < _N_CHUNKS:
            wait_write(j, j % _NBUF)
            waited.add(j)
            start_gather(nxt, j % _NBUF)
        wait_gather(c, b)
        start_write(c, b)
    for c in range(_N_CHUNKS):
        if c not in waited:
            wait_write(c, c % _NBUF)


@functools.partial(
    pl.kernel,
    out_type=jax.ShapeDtypeStruct((N_IDS, D_MODEL), jnp.float32),
    mesh=plsc.VectorSubcoreMesh(core_axis_name="c", subcore_axis_name="s"),
    scratch_types=[
        pltpu.VMEM((_B_PER_W,), jnp.int32),
        pltpu.VMEM((_NBUF, _CHUNK, D_MODEL), jnp.float32),
        pltpu.SemaphoreType.DMA((_NBUF,)),
        pltpu.SemaphoreType.DMA((_NBUF,)),
    ],
)
def _embed_lookup(ids_hbm, table_hbm, out_hbm, idx_v, rows_v, sem_g, sem_w):
    _embed_body(ids_hbm, table_hbm, out_hbm, idx_v, rows_v, sem_g, sem_w)


def kernel(input_ids, embed_table):
    batch, seq = input_ids.shape
    flat_ids = input_ids.reshape(-1).astype(jnp.int32)
    out = _embed_lookup(flat_ids, embed_table)
    return out.reshape(batch, seq, D_MODEL)

# --- scband reference (transcript-rebuilt; emitter-appended) ---
"""Pipeline reference for scband-kanitts-embed-10849087390494 (READ-ONLY COPY).

The authoritative reference and input builder live on the scoring server;
editing this copy changes nothing except your own understanding.
"""

import jax, jax.numpy as jnp
import numpy as np

VOCAB = 100000
D_MODEL = 1024
BATCH = 4
SEQ = 2048

def setup_inputs(seed: int = 0) -> dict:
    key = jax.random.key(seed)
    k_ids, k_tab = jax.random.split(key)
    input_ids = jax.random.randint(k_ids, (BATCH, SEQ), 0, VOCAB, dtype=jnp.int64 if jax.config.jax_enable_x64 else jnp.int32)
    embed_table = jax.random.normal(k_tab, (VOCAB, D_MODEL), dtype=jnp.float32) * 0.02
    return {"input_ids": input_ids, "embed_table": embed_table}

def reference(input_ids, embed_table):
    # KANITTS_EMBED.forward: self.kani_tts.model.embed_tokens(input_ids)
    # nn.Embedding lookup == row gather from the table
    return jnp.take(embed_table, input_ids, axis=0)

if __name__ == "__main__":
    import jax
    _d = setup_inputs()
    print(jax.jit(kernel)(*tuple(_d.values())))

</pallas_src>

<mosaic_0001>
#map = affine_map<(d0, d1) -> (0)>
#map1 = affine_map<(d0, d1) -> (0, 0)>
module attributes {stable_mosaic.version = 14 : i64} {
  func.func @_embed_lookup(%arg0: i32, %arg1: i32, %arg2: memref<8192xi32, #tpu.memory_space<hbm>>, %arg3: memref<100000x1024xf32, #tpu.memory_space<hbm>>, %arg4: memref<8192x1024xf32, #tpu.memory_space<hbm>>, %arg5: memref<256xi32, #tpu.memory_space<vmem>>, %arg6: memref<6x16x1024xf32, #tpu.memory_space<vmem>>, %arg7: memref<6x!tpu.dma_semaphore, #tpu.memory_space<semaphore_mem>>, %arg8: memref<6x!tpu.dma_semaphore, #tpu.memory_space<semaphore_mem>>) attributes {dimension_semantics = [#tpu.dimension_semantics<core_parallel>, #tpu.dimension_semantics<subcore_parallel>], iteration_bounds = array<i64: 2, 16>, scalar_prefetch = 0 : i64, scratch_operands = 4 : i64, tpu.core_type = #tpu.core_type<sc_vector_subcore>, window_params = [{transform_indices = #map}, {transform_indices = #map1}, {transform_indices = #map1}]} {
    %mul3A = arith.constant 2 : i32
    %mul3A_0 = arith.muli %arg1, %mul3A : i32
    %add3A = arith.addi %mul3A_0, %arg0 : i32
    %mul3A_1 = arith.constant 256 : i32
    %mul3A_2 = arith.muli %add3A, %mul3A_1 : i32
    "tpu.region"() ({
      %run_scoped3A = tpu.sem_alloc : memref<!tpu.dma_semaphore, #tpu.memory_space<semaphore_mem>>
      %dma_start3A_993 = tpu.memref_slice %arg2[%mul3A_2] : memref<8192xi32, #tpu.memory_space<hbm>> -> memref<256xi32, #tpu.memory_space<hbm>>
      %dma_start3A_994 = tpu.memref_slice %arg2[%mul3A_2] : memref<8192xi32, #tpu.memory_space<hbm>> -> memref<256xi32, #tpu.memory_space<hbm>>
      tpu.enqueue_dma source(%dma_start3A_994 : memref<256xi32, #tpu.memory_space<hbm>>) target(%arg5 : memref<256xi32, #tpu.memory_space<vmem>>) target_semaphore(%run_scoped3A : memref<!tpu.dma_semaphore, #tpu.memory_space<semaphore_mem>>)
      %dma_wait3A_995 = tpu.memref_slice %arg2[%mul3A_2] : memref<8192xi32, #tpu.memory_space<hbm>> -> memref<256xi32, #tpu.memory_space<hbm>>
      %dma_wait3A_996 = tpu.memref_slice %arg2[%mul3A_2] : memref<8192xi32, #tpu.memory_space<hbm>> -> memref<256xi32, #tpu.memory_space<hbm>>
      tpu.wait_dma2 semaphore(%run_scoped3A : memref<!tpu.dma_semaphore, #tpu.memory_space<semaphore_mem>>) src(%dma_wait3A_996 : memref<256xi32, #tpu.memory_space<hbm>>) dst(%arg5 : memref<256xi32, #tpu.memory_space<vmem>>)
      tpu.yield
    }) : () -> ()
    %dma_start3A = arith.constant 0 : i32
    %dma_start3A_3 = arith.constant 0 : i32
    %dma_start3A_4 = arith.constant 0 : i32
    %dma_start3A_5 = arith.constant 0 : i32
    %dma_start3A_6 = tpu.memref_slice %arg6[%dma_start3A, %dma_start3A_4, %dma_start3A_5] : memref<6x16x1024xf32, #tpu.memory_space<vmem>> -> memref<1x16x1024xf32, #tpu.memory_space<vmem>>
    %dma_start3A_7 = tpu.memref_squeeze %dma_start3A_6 : memref<1x16x1024xf32, #tpu.memory_space<vmem>> -> memref<16x1024xf32, #tpu.memory_space<vmem>>
    %dma_start3A_8 = arith.constant 0 : i32
    %dma_start3A_9 = tpu.memref_slice %arg5[%dma_start3A_8] : memref<256xi32, #tpu.memory_space<vmem>> -> memref<16xi32, #tpu.memory_space<vmem>>
    %dma_start3A_10 = arith.constant 0 : i32
    %dma_start3A_11 = arith.constant 0 : i32
    %dma_start3A_12 = tpu.memref_slice %arg3[%dma_start3A_10, %dma_start3A_11] : memref<100000x1024xf32, #tpu.memory_space<hbm>> -> memref<100000x1024xf32, #tpu.memory_space<hbm>>
    %dma_start3A_13 = tpu.memref_slice %arg7[%dma_start3A_3] : memref<6x!tpu.dma_semaphore, #tpu.memory_space<semaphore_mem>> -> memref<1x!tpu.dma_semaphore, #tpu.memory_space<semaphore_mem>>
    %dma_start3A_14 = tpu.memref_squeeze %dma_start3A_13 : memref<1x!tpu.dma_semaphore, #tpu.memory_space<semaphore_mem>> -> memref<!tpu.dma_semaphore, #tpu.memory_space<semaphore_mem>>
    tpu.enqueue_indirect_dma source(%dma_start3A_12 : memref<100000x1024xf32, #tpu.memory_space<hbm>>) target(%dma_start3A_7 : memref<16x1024xf32, #tpu.memory_space<vmem>>) offsets(%dma_start3A_9 : memref<16xi32, #tpu.memory_space<vmem>>) semaphore(%dma_start3A_14 : memref<!tpu.dma_semaphore, #tpu.memory_space<semaphore_mem>>)
    %dma_start3A_15 = arith.constant 1 : i32
    %dma_start3A_16 = arith.constant 1 : i32
    %dma_start3A_17 = arith.constant 0 : i32
    %dma_start3A_18 = arith.constant 0 : i32
    %dma_start3A_19 = tpu.memref_slice %arg6[%dma_start3A_15, %dma_start3A_17, %dma_start3A_18] : memref<6x16x1024xf32, #tpu.memory_space<vmem>> -> memref<1x16x1024xf32, #tpu.memory_space<vmem>>
    %dma_start3A_20 = tpu.memref_squeeze %dma_start3A_19 : memref<1x16x1024xf32, #tpu.memory_space<vmem>> -> memref<16x1024xf32, #tpu.memory_space<vmem>>
    %dma_start3A_21 = arith.constant 16 : i32
    %dma_start3A_22 = tpu.memref_slice %arg5[%dma_start3A_21] : memref<256xi32, #tpu.memory_space<vmem>> -> memref<16xi32, #tpu.memory_space<vmem>>
    %dma_start3A_23 = arith.constant 0 : i32
    %dma_start3A_24 = arith.constant 0 : i32
    %dma_start3A_25 = tpu.memref_slice %arg3[%dma_start3A_23, %dma_start3A_24] : memref<100000x1024xf32, #tpu.memory_space<hbm>> -> memref<100000x1024xf32, #tpu.memory_space<hbm>>
    %dma_start3A_26 = tpu.memref_slice %arg7[%dma_start3A_16] : memref<6x!tpu.dma_semaphore, #tpu.memory_space<semaphore_mem>> -> memref<1x!tpu.dma_semaphore, #tpu.memory_space<semaphore_mem>>
    %dma_start3A_27 = tpu.memref_squeeze %dma_start3A_26 : memref<1x!tpu.dma_semaphore, #tpu.memory_space<semaphore_mem>> -> memref<!tpu.dma_semaphore, #tpu.memory_space<semaphore_mem>>
    tpu.enqueue_indirect_dma source(%dma_start3A_25 : memref<100000x1024xf32, #tpu.memory_space<hbm>>) target(%dma_start3A_20 : memref<16x1024xf32, #tpu.memory_space<vmem>>) offsets(%dma_start3A_22 : memref<16xi32, #tpu.memory_space<vmem>>) semaphore(%dma_start3A_27 : memref<!tpu.dma_semaphore, #tpu.memory_space<semaphore_mem>>)
    %dma_start3A_28 = arith.constant 2 : i32
    %dma_start3A_29 = arith.constant 2 : i32
    %dma_start3A_30 = arith.constant 0 : i32
    %dma_start3A_31 = arith.constant 0 : i32
    %dma_start3A_32 = tpu.memref_slice %arg6[%dma_start3A_28, %dma_start3A_30, %dma_start3A_31] : memref<6x16x1024xf32, #tpu.memory_space<vmem>> -> memref<1x16x1024xf32, #tpu.memory_space<vmem>>
    %dma_start3A_33 = tpu.memref_squeeze %dma_start3A_32 : memref<1x16x1024xf32, #tpu.memory_space<vmem>> -> memref<16x1024xf32, #tpu.memory_space<vmem>>
    %dma_start3A_34 = arith.constant 32 : i32
    %dma_start3A_35 = tpu.memref_slice %arg5[%dma_start3A_34] : memref<256xi32, #tpu.memory_space<vmem>> -> memref<16xi32, #tpu.memory_space<vmem>>
    %dma_start3A_36 = arith.constant 0 : i32
    %dma_start3A_37 = arith.constant 0 : i32
    %dma_start3A_38 = tpu.memref_slice %arg3[%dma_start3A_36, %dma_start3A_37] : memref<100000x1024xf32, #tpu.memory_space<hbm>> -> memref<100000x1024xf32, #tpu.memory_space<hbm>>
    %dma_start3A_39 = tpu.memref_slice %arg7[%dma_start3A_29] : memref<6x!tpu.dma_semaphore, #tpu.memory_space<semaphore_mem>> -> memref<1x!tpu.dma_semaphore, #tpu.memory_space<semaphore_mem>>
    %dma_start3A_40 = tpu.memref_squeeze %dma_start3A_39 : memref<1x!tpu.dma_semaphore, #tpu.memory_space<semaphore_mem>> -> memref<!tpu.dma_semaphore, #tpu.memory_space<semaphore_mem>>
    tpu.enqueue_indirect_dma source(%dma_start3A_38 : memref<100000x1024xf32, #tpu.memory_space<hbm>>) target(%dma_start3A_33 : memref<16x1024xf32, #tpu.memory_space<vmem>>) offsets(%dma_start3A_35 : memref<16xi32, #tpu.memory_space<vmem>>) semaphore(%dma_start3A_40 : memref<!tpu.dma_semaphore, #tpu.memory_space<semaphore_mem>>)
    %dma_start3A_41 = arith.constant 3 : i32
    %dma_start3A_42 = arith.constant 3 : i32
    %dma_start3A_43 = arith.constant 0 : i32
    %dma_start3A_44 = arith.constant 0 : i32
    %dma_start3A_45 = tpu.memref_slice %arg6[%dma_start3A_41, %dma_start3A_43, %dma_start3A_44] : memref<6x16x1024xf32, #tpu.memory_space<vmem>> -> memref<1x16x1024xf32, #tpu.memory_space<vmem>>
    %dma_start3A_46 = tpu.memref_squeeze %dma_start3A_45 : memref<1x16x1024xf32, #tpu.memory_space<vmem>> -> memref<16x1024xf32, #tpu.memory_space<vmem>>
    %dma_start3A_47 = arith.constant 48 : i32
    %dma_start3A_48 = tpu.memref_slice %arg5[%dma_start3A_47] : memref<256xi32, #tpu.memory_space<vmem>> -> memref<16xi32, #tpu.memory_space<vmem>>
    %dma_start3A_49 = arith.constant 0 : i32
    %dma_start3A_50 = arith.constant 0 : i32
    %dma_start3A_51 = tpu.memref_slice %arg3[%dma_start3A_49, %dma_start3A_50] : memref<100000x1024xf32, #tpu.memory_space<hbm>> -> memref<100000x1024xf32, #tpu.memory_space<hbm>>
    %dma_start3A_52 = tpu.memref_slice %arg7[%dma_start3A_42] : memref<6x!tpu.dma_semaphore, #tpu.memory_space<semaphore_mem>> -> memref<1x!tpu.dma_semaphore, #tpu.memory_space<semaphore_mem>>
    %dma_start3A_53 = tpu.memref_squeeze %dma_start3A_52 : memref<1x!tpu.dma_semaphore, #tpu.memory_space<semaphore_mem>> -> memref<!tpu.dma_semaphore, #tpu.memory_space<semaphore_mem>>
    tpu.enqueue_indirect_dma source(%dma_start3A_51 : memref<100000x1024xf32, #tpu.memory_space<hbm>>) target(%dma_start3A_46 : memref<16x1024xf32, #tpu.memory_space<vmem>>) offsets(%dma_start3A_48 : memref<16xi32, #tpu.memory_space<vmem>>) semaphore(%dma_start3A_53 : memref<!tpu.dma_semaphore, #tpu.memory_space<semaphore_mem>>)
    %dma_start3A_54 = arith.constant 4 : i32
    %dma_start3A_55 = arith.constant 4 : i32
    %dma_start3A_56 = arith.constant 0 : i32
    %dma_start3A_57 = arith.constant 0 : i32
    %dma_start3A_58 = tpu.memref_slice %arg6[%dma_start3A_54, %dma_start3A_56, %dma_start3A_57] : memref<6x16x1024xf32, #tpu.memory_space<vmem>> -> memref<1x16x1024xf32, #tpu.memory_space<vmem>>
    %dma_start3A_59 = tpu.memref_squeeze %dma_start3A_58 : memref<1x16x1024xf32, #tpu.memory_space<vmem>> -> memref<16x1024xf32, #tpu.memory_space<vmem>>
    %dma_start3A_60 = arith.constant 64 : i32
    %dma_start3A_61 = tpu.memref_slice %arg5[%dma_start3A_60] : memref<256xi32, #tpu.memory_space<vmem>> -> memref<16xi32, #tpu.memory_space<vmem>>
    %dma_start3A_62 = arith.constant 0 : i32
    %dma_start3A_63 = arith.constant 0 : i32
    %dma_start3A_64 = tpu.memref_slice %arg3[%dma_start3A_62, %dma_start3A_63] : memref<100000x1024xf32, #tpu.memory_space<hbm>> -> memref<100000x1024xf32, #tpu.memory_space<hbm>>
    %dma_start3A_65 = tpu.memref_slice %arg7[%dma_start3A_55] : memref<6x!tpu.dma_semaphore, #tpu.memory_space<semaphore_mem>> -> memref<1x!tpu.dma_semaphore, #tpu.memory_space<semaphore_mem>>
    %dma_start3A_66 = tpu.memref_squeeze %dma_start3A_65 : memref<1x!tpu.dma_semaphore, #tpu.memory_space<semaphore_mem>> -> memref<!tpu.dma_semaphore, #tpu.memory_space<semaphore_mem>>
    tpu.enqueue_indirect_dma source(%dma_start3A_64 : memref<100000x1024xf32, #tpu.memory_space<hbm>>) target(%dma_start3A_59 : memref<16x1024xf32, #tpu.memory_space<vmem>>) offsets(%dma_start3A_61 : memref<16xi32, #tpu.memory_space<vmem>>) semaphore(%dma_start3A_66 : memref<!tpu.dma_semaphore, #tpu.memory_space<semaphore_mem>>)
    %dma_start3A_67 = arith.constant 5 : i32
    %dma_start3A_68 = arith.constant 5 : i32
    %dma_start3A_69 = arith.constant 0 : i32
    %dma_start3A_70 = arith.constant 0 : i32
    %dma_start3A_71 = tpu.memref_slice %arg6[%dma_start3A_67, %dma_start3A_69, %dma_start3A_70] : memref<6x16x1024xf32, #tpu.memory_space<vmem>> -> memref<1x16x1024xf32, #tpu.memory_space<vmem>>
    %dma_start3A_72 = tpu.memref_squeeze %dma_start3A_71 : memref<1x16x1024xf32, #tpu.memory_space<vmem>> -> memref<16x1024xf32, #tpu.memory_space<vmem>>
    %dma_start3A_73 = arith.constant 80 : i32
    %dma_start3A_74 = tpu.memref_slice %arg5[%dma_start3A_73] : memref<256xi32, #tpu.memory_space<vmem>> -> memref<16xi32, #tpu.memory_space<vmem>>
    %dma_start3A_75 = arith.constant 0 : i32
    %dma_start3A_76 = arith.constant 0 : i32
    %dma_start3A_77 = tpu.memref_slice %arg3[%dma_start3A_75, %dma_start3A_76] : memref<100000x1024xf32, #tpu.memory_space<hbm>> -> memref<100000x1024xf32, #tpu.memory_space<hbm>>
    %dma_start3A_78 = tpu.memref_slice %arg7[%dma_start3A_68] : memref<6x!tpu.dma_semaphore, #tpu.memory_space<semaphore_mem>> -> memref<1x!tpu.dma_semaphore, #tpu.memory_space<semaphore_mem>>
    %dma_start3A_79 = tpu.memref_squeeze %dma_start3A_78 : memref<1x!tpu.dma_semaphore, #tpu.memory_space<semaphore_mem>> -> memref<!tpu.dma_semaphore, #tpu.memory_space<semaphore_mem>>
    tpu.enqueue_indirect_dma source(%dma_start3A_77 : memref<100000x1024xf32, #tpu.memory_space<hbm>>) target(%dma_start3A_72 : memref<16x1024xf32, #tpu.memory_space<vmem>>) offsets(%dma_start3A_74 : memref<16xi32, #tpu.memory_space<vmem>>) semaphore(%dma_start3A_79 : memref<!tpu.dma_semaphore, #tpu.memory_space<semaphore_mem>>)
    %dma_wait3A = arith.constant 0 : i32
    %dma_wait3A_80 = arith.constant 0 : i32
    %dma_wait3A_81 = arith.constant 0 : i32
    %dma_wait3A_82 = arith.constant 0 : i32
    %dma_wait3A_83 = tpu.memref_slice %arg6[%dma_wait3A, %dma_wait3A_81, %dma_wait3A_82] : memref<6x16x1024xf32, #tpu.memory_space<vmem>> -> memref<1x16x1024xf32, #tpu.memory_space<vmem>>
    %dma_wait3A_84 = tpu.memref_squeeze %dma_wait3A_83 : memref<1x16x1024xf32, #tpu.memory_space<vmem>> -> memref<16x1024xf32, #tpu.memory_space<vmem>>
    %dma_wait3A_85 = arith.constant 0 : i32
    %dma_wait3A_86 = tpu.memref_slice %arg5[%dma_wait3A_85] : memref<256xi32, #tpu.memory_space<vmem>> -> memref<16xi32, #tpu.memory_space<vmem>>
    %dma_wait3A_87 = arith.constant 0 : i32
    %dma_wait3A_88 = arith.constant 0 : i32
    %dma_wait3A_89 = tpu.memref_slice %arg3[%dma_wait3A_87, %dma_wait3A_88] : memref<100000x1024xf32, #tpu.memory_space<hbm>> -> memref<100000x1024xf32, #tpu.memory_space<hbm>>
    %dma_wait3A_90 = tpu.memref_slice %arg7[%dma_wait3A_80] : memref<6x!tpu.dma_semaphore, #tpu.memory_space<semaphore_mem>> -> memref<1x!tpu.dma_semaphore, #tpu.memory_space<semaphore_mem>>
    %dma_wait3A_91 = tpu.memref_squeeze %dma_wait3A_90 : memref<1x!tpu.dma_semaphore, #tpu.memory_space<semaphore_mem>> -> memref<!tpu.dma_semaphore, #tpu.memory_space<semaphore_mem>>
    tpu.wait_indirect_dma semaphore(%dma_wait3A_91 : memref<!tpu.dma_semaphore, #tpu.memory_space<semaphore_mem>>) src(%dma_wait3A_89 : memref<100000x1024xf32, #tpu.memory_space<hbm>>) dst(%dma_wait3A_84 : memref<16x1024xf32, #tpu.memory_space<vmem>>)
    %add3A_92 = arith.constant 0 : i32
    %add3A_93 = arith.addi %mul3A_2, %add3A_92 : i32
    %dma_start3A_94 = arith.constant 0 : i32
    %dma_start3A_95 = arith.constant 0 : i32
    %dma_start3A_96 = arith.constant 0 : i32
    %dma_start3A_97 = arith.constant 0 : i32
    %dma_start3A_98 = tpu.memref_slice %arg6[%dma_start3A_94, %dma_start3A_96, %dma_start3A_97] : memref<6x16x1024xf32, #tpu.memory_space<vmem>> -> memref<1x16x1024xf32, #tpu.memory_space<vmem>>
    %dma_start3A_99 = tpu.memref_squeeze %dma_start3A_98 : memref<1x16x1024xf32, #tpu.memory_space<vmem>> -> memref<16x1024xf32, #tpu.memory_space<vmem>>
    %dma_start3A_100 = arith.constant 0 : i32
    %dma_start3A_101 = tpu.memref_slice %arg4[%add3A_93, %dma_start3A_100] : memref<8192x1024xf32, #tpu.memory_space<hbm>> -> memref<16x1024xf32, #tpu.memory_space<hbm>>
    %dma_start3A_102 = tpu.memref_slice %arg8[%dma_start3A_95] : memref<6x!tpu.dma_semaphore, #tpu.memory_space<semaphore_mem>> -> memref<1x!tpu.dma_semaphore, #tpu.memory_space<semaphore_mem>>
    %dma_start3A_103 = tpu.memref_squeeze %dma_start3A_102 : memref<1x!tpu.dma_semaphore, #tpu.memory_space<semaphore_mem>> -> memref<!tpu.dma_semaphore, #tpu.memory_space<semaphore_mem>>
    %dma_start3A_104 = arith.constant 0 : i32
    %dma_start3A_105 = tpu.memref_slice %arg4[%add3A_93, %dma_start3A_104] : memref<8192x1024xf32, #tpu.memory_space<hbm>> -> memref<16x1024xf32, #tpu.memory_space<hbm>>
    %dma_start3A_106 = arith.constant 0 : i32
    %dma_start3A_107 = arith.constant 0 : i32
    %dma_start3A_108 = tpu.memref_slice %arg6[%dma_start3A_94, %dma_start3A_106, %dma_start3A_107] : memref<6x16x1024xf32, #tpu.memory_space<vmem>> -> memref<1x16x1024xf32, #tpu.memory_space<vmem>>
    %dma_start3A_109 = tpu.memref_squeeze %dma_start3A_108 : memref<1x16x1024xf32, #tpu.memory_space<vmem>> -> memref<16x1024xf32, #tpu.memory_space<vmem>>
    tpu.enqueue_dma source(%dma_start3A_109 : memref<16x1024xf32, #tpu.memory_space<vmem>>) target(%dma_start3A_105 : memref<16x1024xf32, #tpu.memory_space<hbm>>) target_semaphore(%dma_start3A_103 : memref<!tpu.dma_semaphore, #tpu.memory_space<semaphore_mem>>)
    %dma_wait3A_110 = arith.constant 1 : i32
    %dma_wait3A_111 = arith.constant 1 : i32
    %dma_wait3A_112 = arith.constant 0 : i32
    %dma_wait3A_113 = arith.constant 0 : i32
    %dma_wait3A_114 = tpu.memref_slice %arg6[%dma_wait3A_110, %dma_wait3A_112, %dma_wait3A_113] : memref<6x16x1024xf32, #tpu.memory_space<vmem>> -> memref<1x16x1024xf32, #tpu.memory_space<vmem>>
    %dma_wait3A_115 = tpu.memref_squeeze %dma_wait3A_114 : memref<1x16x1024xf32, #tpu.memory_space<vmem>> -> memref<16x1024xf32, #tpu.memory_space<vmem>>
    %dma_wait3A_116 = arith.constant 16 : i32
    %dma_wait3A_117 = tpu.memref_slice %arg5[%dma_wait3A_116] : memref<256xi32, #tpu.memory_space<vmem>> -> memref<16xi32, #tpu.memory_space<vmem>>
    %dma_wait3A_118 = arith.constant 0 : i32
    %dma_wait3A_119 = arith.constant 0 : i32
    %dma_wait3A_120 = tpu.memref_slice %arg3[%dma_wait3A_118, %dma_wait3A_119] : memref<100000x1024xf32, #tpu.memory_space<hbm>> -> memref<100000x1024xf32, #tpu.memory_space<hbm>>
    %dma_wait3A_121 = tpu.memref_slice %arg7[%dma_wait3A_111] : memref<6x!tpu.dma_semaphore, #tpu.memory_space<semaphore_mem>> -> memref<1x!tpu.dma_semaphore, #tpu.memory_space<semaphore_mem>>
    %dma_wait3A_122 = tpu.memref_squeeze %dma_wait3A_121 : memref<1x!tpu.dma_semaphore, #tpu.memory_space<semaphore_mem>> -> memref<!tpu.dma_semaphore, #tpu.memory_space<semaphore_mem>>
    tpu.wait_indirect_dma semaphore(%dma_wait3A_122 : memref<!tpu.dma_semaphore, #tpu.memory_space<semaphore_mem>>) src(%dma_wait3A_120 : memref<100000x1024xf32, #tpu.memory_space<hbm>>) dst(%dma_wait3A_115 : memref<16x1024xf32, #tpu.memory_space<vmem>>)
    %add3A_123 = arith.constant 16 : i32
    %add3A_124 = arith.addi %mul3A_2, %add3A_123 : i32
    %dma_start3A_125 = arith.constant 1 : i32
    %dma_start3A_126 = arith.constant 1 : i32
    %dma_start3A_127 = arith.constant 0 : i32
    %dma_start3A_128 = arith.constant 0 : i32
    %dma_start3A_129 = tpu.memref_slice %arg6[%dma_start3A_125, %dma_start3A_127, %dma_start3A_128] : memref<6x16x1024xf32, #tpu.memory_space<vmem>> -> memref<1x16x1024xf32, #tpu.memory_space<vmem>>
    %dma_start3A_130 = tpu.memref_squeeze %dma_start3A_129 : memref<1x16x1024xf32, #tpu.memory_space<vmem>> -> memref<16x1024xf32, #tpu.memory_space<vmem>>
    %dma_start3A_131 = arith.constant 0 : i32
    %dma_start3A_132 = tpu.memref_slice %arg4[%add3A_124, %dma_start3A_131] : memref<8192x1024xf32, #tpu.memory_space<hbm>> -> memref<16x1024xf32, #tpu.memory_space<hbm>>
    %dma_start3A_133 = tpu.memref_slice %arg8[%dma_start3A_126] : memref<6x!tpu.dma_semaphore, #tpu.memory_space<semaphore_mem>> -> memref<1x!tpu.dma_semaphore, #tpu.memory_space<semaphore_mem>>
    %dma_start3A_134 = tpu.memref_squeeze %dma_start3A_133 : memref<1x!tpu.dma_semaphore, #tpu.memory_space<semaphore_mem>> -> memref<!tpu.dma_semaphore, #tpu.memory_space<semaphore_mem>>
    %dma_start3A_135 = arith.constant 0 : i32
    %dma_start3A_136 = tpu.memref_slice %arg4[%add3A_124, %dma_start3A_135] : memref<8192x1024xf32, #tpu.memory_space<hbm>> -> memref<16x1024xf32, #tpu.memory_space<hbm>>
    %dma_start3A_137 = arith.constant 0 : i32
    %dma_start3A_138 = arith.constant 0 : i32
    %dma_start3A_139 = tpu.memref_slice %arg6[%dma_start3A_125, %dma_start3A_137, %dma_start3A_138] : memref<6x16x1024xf32, #tpu.memory_space<vmem>> -> memref<1x16x1024xf32, #tpu.memory_space<vmem>>
    %dma_start3A_140 = tpu.memref_squeeze %dma_start3A_139 : memref<1x16x1024xf32, #tpu.memory_space<vmem>> -> memref<16x1024xf32, #tpu.memory_space<vmem>>
    tpu.enqueue_dma source(%dma_start3A_140 : memref<16x1024xf32, #tpu.memory_space<vmem>>) target(%dma_start3A_136 : memref<16x1024xf32, #tpu.memory_space<hbm>>) target_semaphore(%dma_start3A_134 : memref<!tpu.dma_semaphore, #tpu.memory_space<semaphore_mem>>)
    %dma_wait3A_141 = arith.constant 2 : i32
    %dma_wait3A_142 = arith.constant 2 : i32
    %dma_wait3A_143 = arith.constant 0 : i32
    %dma_wait3A_144 = arith.constant 0 : i32
    %dma_wait3A_145 = tpu.memref_slice %arg6[%dma_wait3A_141, %dma_wait3A_143, %dma_wait3A_144] : memref<6x16x1024xf32, #tpu.memory_space<vmem>> -> memref<1x16x1024xf32, #tpu.memory_space<vmem>>
    %dma_wait3A_146 = tpu.memref_squeeze %dma_wait3A_145 : memref<1x16x1024xf32, #tpu.memory_space<vmem>> -> memref<16x1024xf32, #tpu.memory_space<vmem>>
    %dma_wait3A_147 = arith.constant 32 : i32
    %dma_wait3A_148 = tpu.memref_slice %arg5[%dma_wait3A_147] : memref<256xi32, #tpu.memory_space<vmem>> -> memref<16xi32, #tpu.memory_space<vmem>>
    %dma_wait3A_149 = arith.constant 0 : i32
    %dma_wait3A_150 = arith.constant 0 : i32
    %dma_wait3A_151 = tpu.memref_slice %arg3[%dma_wait3A_149, %dma_wait3A_150] : memref<100000x1024xf32, #tpu.memory_space<hbm>> -> memref<100000x1024xf32, #tpu.memory_space<hbm>>
    %dma_wait3A_152 = tpu.memref_slice %arg7[%dma_wait3A_142] : memref<6x!tpu.dma_semaphore, #tpu.memory_space<semaphore_mem>> -> memref<1x!tpu.dma_semaphore, #tpu.memory_space<semaphore_mem>>
    %dma_wait3A_153 = tpu.memref_squeeze %dma_wait3A_152 : memref<1x!tpu.dma_semaphore, #tpu.memory_space<semaphore_mem>> -> memref<!tpu.dma_semaphore, #tpu.memory_space<semaphore_mem>>
    tpu.wait_indirect_dma semaphore(%dma_wait3A_153 : memref<!tpu.dma_semaphore, #tpu.memory_space<semaphore_mem>>) src(%dma_wait3A_151 : memref<100000x1024xf32, #tpu.memory_space<hbm>>) dst(%dma_wait3A_146 : memref<16x1024xf32, #tpu.memory_space<vmem>>)
    %add3A_154 = arith.constant 32 : i32
    %add3A_155 = arith.addi %mul3A_2, %add3A_154 : i32
    %dma_start3A_156 = arith.constant 2 : i32
    %dma_start3A_157 = arith.constant 2 : i32
    %dma_start3A_158 = arith.constant 0 : i32
    %dma_start3A_159 = arith.constant 0 : i32
    %dma_start3A_160 = tpu.memref_slice %arg6[%dma_start3A_156, %dma_start3A_158, %dma_start3A_159] : memref<6x16x1024xf32, #tpu.memory_space<vmem>> -> memref<1x16x1024xf32, #tpu.memory_space<vmem>>
    %dma_start3A_161 = tpu.memref_squeeze %dma_start3A_160 : memref<1x16x1024xf32, #tpu.memory_space<vmem>> -> memref<16x1024xf32, #tpu.memory_space<vmem>>
    %dma_start3A_162 = arith.constant 0 : i32
    %dma_start3A_163 = tpu.memref_slice %arg4[%add3A_155, %dma_start3A_162] : memref<8192x1024xf32, #tpu.memory_space<hbm>> -> memref<16x1024xf32, #tpu.memory_space<hbm>>
    %dma_start3A_164 = tpu.memref_slice %arg8[%dma_start3A_157] : memref<6x!tpu.dma_semaphore, #tpu.memory_space<semaphore_mem>> -> memref<1x!tpu.dma_semaphore, #tpu.memory_space<semaphore_mem>>
    %dma_start3A_165 = tpu.memref_squeeze %dma_start3A_164 : memref<1x!tpu.dma_semaphore, #tpu.memory_space<semaphore_mem>> -> memref<!tpu.dma_semaphore, #tpu.memory_space<semaphore_mem>>
    %dma_start3A_166 = arith.constant 0 : i32
    %dma_start3A_167 = tpu.memref_slice %arg4[%add3A_155, %dma_start3A_166] : memref<8192x1024xf32, #tpu.memory_space<hbm>> -> memref<16x1024xf32, #tpu.memory_space<hbm>>
    %dma_start3A_168 = arith.constant 0 : i32
    %dma_start3A_169 = arith.constant 0 : i32
    %dma_start3A_170 = tpu.memref_slice %arg6[%dma_start3A_156, %dma_start3A_168, %dma_start3A_169] : memref<6x16x1024xf32, #tpu.memory_space<vmem>> -> memref<1x16x1024xf32, #tpu.memory_space<vmem>>
    %dma_start3A_171 = tpu.memref_squeeze %dma_start3A_170 : memref<1x16x1024xf32, #tpu.memory_space<vmem>> -> memref<16x1024xf32, #tpu.memory_space<vmem>>
    tpu.enqueue_dma source(%dma_start3A_171 : memref<16x1024xf32, #tpu.memory_space<vmem>>) target(%dma_start3A_167 : memref<16x1024xf32, #tpu.memory_space<hbm>>) target_semaphore(%dma_start3A_165 : memref<!tpu.dma_semaphore, #tpu.memory_space<semaphore_mem>>)
    %add3A_172 = arith.constant 0 : i32
    %add3A_173 = arith.addi %mul3A_2, %add3A_172 : i32
    %dma_wait3A_174 = arith.constant 0 : i32
    %dma_wait3A_175 = arith.constant 0 : i32
    %dma_wait3A_176 = arith.constant 0 : i32
    %dma_wait3A_177 = arith.constant 0 : i32
    %dma_wait3A_178 = tpu.memref_slice %arg6[%dma_wait3A_174, %dma_wait3A_176, %dma_wait3A_177] : memref<6x16x1024xf32, #tpu.memory_space<vmem>> -> memref<1x16x1024xf32, #tpu.memory_space<vmem>>
    %dma_wait3A_179 = tpu.memref_squeeze %dma_wait3A_178 : memref<1x16x1024xf32, #tpu.memory_space<vmem>> -> memref<16x1024xf32, #tpu.memory_space<vmem>>
    %dma_wait3A_180 = arith.constant 0 : i32
    %dma_wait3A_181 = tpu.memref_slice %arg4[%add3A_173, %dma_wait3A_180] : memref<8192x1024xf32, #tpu.memory_space<hbm>> -> memref<16x1024xf32, #tpu.memory_space<hbm>>
    %dma_wait3A_182 = tpu.memref_slice %arg8[%dma_wait3A_175] : memref<6x!tpu.dma_semaphore, #tpu.memory_space<semaphore_mem>> -> memref<1x!tpu.dma_semaphore, #tpu.memory_space<semaphore_mem>>
    %dma_wait3A_183 = tpu.memref_squeeze %dma_wait3A_182 : memref<1x!tpu.dma_semaphore, #tpu.memory_space<semaphore_mem>> -> memref<!tpu.dma_semaphore, #tpu.memory_space<semaphore_mem>>
    %dma_wait3A_184 = arith.constant 0 : i32
    %dma_wait3A_185 = tpu.memref_slice %arg4[%add3A_173, %dma_wait3A_184] : memref<8192x1024xf32, #tpu.memory_space<hbm>> -> memref<16x1024xf32, #tpu.memory_space<hbm>>
    %dma_wait3A_186 = arith.constant 0 : i32
    %dma_wait3A_187 = arith.constant 0 : i32
    %dma_wait3A_188 = tpu.memref_slice %arg6[%dma_wait3A_174, %dma_wait3A_186, %dma_wait3A_187] : memref<6x16x1024xf32, #tpu.memory_space<vmem>> -> memref<1x16x1024xf32, #tpu.memory_space<vmem>>
    %dma_wait3A_189 = tpu.memref_squeeze %dma_wait3A_188 : memref<1x16x1024xf32, #tpu.memory_space<vmem>> -> memref<16x1024xf32, #tpu.memory_space<vmem>>
    tpu.wait_dma2 semaphore(%dma_wait3A_183 : memref<!tpu.dma_semaphore, #tpu.memory_space<semaphore_mem>>) src(%dma_wait3A_189 : memref<16x1024xf32, #tpu.memory_space<vmem>>) dst(%dma_wait3A_185 : memref<16x1024xf32, #tpu.memory_space<hbm>>)
    %dma_start3A_190 = arith.constant 0 : i32
    %dma_start3A_191 = arith.constant 0 : i32
    %dma_start3A_192 = arith.constant 0 : i32
    %dma_start3A_193 = arith.constant 0 : i32
    %dma_start3A_194 = tpu.memref_slice %arg6[%dma_start3A_190, %dma_start3A_192, %dma_start3A_193] : memref<6x16x1024xf32, #tpu.memory_space<vmem>> -> memref<1x16x1024xf32, #tpu.memory_space<vmem>>
    %dma_start3A_195 = tpu.memref_squeeze %dma_start3A_194 : memref<1x16x1024xf32, #tpu.memory_space<vmem>> -> memref<16x1024xf32, #tpu.memory_space<vmem>>
    %dma_start3A_196 = arith.constant 96 : i32
    %dma_start3A_197 = tpu.memref_slice %arg5[%dma_start3A_196] : memref<256xi32, #tpu.memory_space<vmem>> -> memref<16xi32, #tpu.memory_space<vmem>>
    %dma_start3A_198 = arith.constant 0 : i32
    %dma_start3A_199 = arith.constant 0 : i32
    %dma_start3A_200 = tpu.memref_slice %arg3[%dma_start3A_198, %dma_start3A_199] : memref<100000x1024xf32, #tpu.memory_space<hbm>> -> memref<100000x1024xf32, #tpu.memory_space<hbm>>
    %dma_start3A_201 = tpu.memref_slice %arg7[%dma_start3A_191] : memref<6x!tpu.dma_semaphore, #tpu.memory_space<semaphore_mem>> -> memref<1x!tpu.dma_semaphore, #tpu.memory_space<semaphore_mem>>
    %dma_start3A_202 = tpu.memref_squeeze %dma_start3A_201 : memref<1x!tpu.dma_semaphore, #tpu.memory_space<semaphore_mem>> -> memref<!tpu.dma_semaphore, #tpu.memory_space<semaphore_mem>>
    tpu.enqueue_indirect_dma source(%dma_start3A_200 : memref<100000x1024xf32, #tpu.memory_space<hbm>>) target(%dma_start3A_195 : memref<16x1024xf32, #tpu.memory_space<vmem>>) offsets(%dma_start3A_197 : memref<16xi32, #tpu.memory_space<vmem>>) semaphore(%dma_start3A_202 : memref<!tpu.dma_semaphore, #tpu.memory_space<semaphore_mem>>)
    %dma_wait3A_203 = arith.constant 3 : i32
    %dma_wait3A_204 = arith.constant 3 : i32
    %dma_wait3A_205 = arith.constant 0 : i32
    %dma_wait3A_206 = arith.constant 0 : i32
    %dma_wait3A_207 = tpu.memref_slice %arg6[%dma_wait3A_203, %dma_wait3A_205, %dma_wait3A_206] : memref<6x16x1024xf32, #tpu.memory_space<vmem>> -> memref<1x16x1024xf32, #tpu.memory_space<vmem>>
    %dma_wait3A_208 = tpu.memref_squeeze %dma_wait3A_207 : memref<1x16x1024xf32, #tpu.memory_space<vmem>> -> memref<16x1024xf32, #tpu.memory_space<vmem>>
    %dma_wait3A_209 = arith.constant 48 : i32
    %dma_wait3A_210 = tpu.memref_slice %arg5[%dma_wait3A_209] : memref<256xi32, #tpu.memory_space<vmem>> -> memref<16xi32, #tpu.memory_space<vmem>>
    %dma_wait3A_211 = arith.constant 0 : i32
    %dma_wait3A_212 = arith.constant 0 : i32
    %dma_wait3A_213 = tpu.memref_slice %arg3[%dma_wait3A_211, %dma_wait3A_212] : memref<100000x1024xf32, #tpu.memory_space<hbm>> -> memref<100000x1024xf32, #tpu.memory_space<hbm>>
    %dma_wait3A_214 = tpu.memref_slice %arg7[%dma_wait3A_204] : memref<6x!tpu.dma_semaphore, #tpu.memory_space<semaphore_mem>> -> memref<1x!tpu.dma_semaphore, #tpu.memory_space<semaphore_mem>>
    %dma_wait3A_215 = tpu.memref_squeeze %dma_wait3A_214 : memref<1x!tpu.dma_semaphore, #tpu.memory_space<semaphore_mem>> -> memref<!tpu.dma_semaphore, #tpu.memory_space<semaphore_mem>>
    tpu.wait_indirect_dma semaphore(%dma_wait3A_215 : memref<!tpu.dma_semaphore, #tpu.memory_space<semaphore_mem>>) src(%dma_wait3A_213 : memref<100000x1024xf32, #tpu.memory_space<hbm>>) dst(%dma_wait3A_208 : memref<16x1024xf32, #tpu.memory_space<vmem>>)
    %add3A_216 = arith.constant 48 : i32
    %add3A_217 = arith.addi %mul3A_2, %add3A_216 : i32
    %dma_start3A_218 = arith.constant 3 : i32
    %dma_start3A_219 = arith.constant 3 : i32
    %dma_start3A_220 = arith.constant 0 : i32
    %dma_start3A_221 = arith.constant 0 : i32
    %dma_start3A_222 = tpu.memref_slice %arg6[%dma_start3A_218, %dma_start3A_220, %dma_start3A_221] : memref<6x16x1024xf32, #tpu.memory_space<vmem>> -> memref<1x16x1024xf32, #tpu.memory_space<vmem>>
    %dma_start3A_223 = tpu.memref_squeeze %dma_start3A_222 : memref<1x16x1024xf32, #tpu.memory_space<vmem>> -> memref<16x1024xf32, #tpu.memory_space<vmem>>
    %dma_start3A_224 = arith.constant 0 : i32
    %dma_start3A_225 = tpu.memref_slice %arg4[%add3A_217, %dma_start3A_224] : memref<8192x1024xf32, #tpu.memory_space<hbm>> -> memref<16x1024xf32, #tpu.memory_space<hbm>>
    %dma_start3A_226 = tpu.memref_slice %arg8[%dma_start3A_219] : memref<6x!tpu.dma_semaphore, #tpu.memory_space<semaphore_mem>> -> memref<1x!tpu.dma_semaphore, #tpu.memory_space<semaphore_mem>>
    %dma_start3A_227 = tpu.memref_squeeze %dma_start3A_226 : memref<1x!tpu.dma_semaphore, #tpu.memory_space<semaphore_mem>> -> memref<!tpu.dma_semaphore, #tpu.memory_space<semaphore_mem>>
    %dma_start3A_228 = arith.constant 0 : i32
    %dma_start3A_229 = tpu.memref_slice %arg4[%add3A_217, %dma_start3A_228] : memref<8192x1024xf32, #tpu.memory_space<hbm>> -> memref<16x1024xf32, #tpu.memory_space<hbm>>
    %dma_start3A_230 = arith.constant 0 : i32
    %dma_start3A_231 = arith.constant 0 : i32
    %dma_start3A_232 = tpu.memref_slice %arg6[%dma_start3A_218, %dma_start3A_230, %dma_start3A_231] : memref<6x16x1024xf32, #tpu.memory_space<vmem>> -> memref<1x16x1024xf32, #tpu.memory_space<vmem>>
    %dma_start3A_233 = tpu.memref_squeeze %dma_start3A_232 : memref<1x16x1024xf32, #tpu.memory_space<vmem>> -> memref<16x1024xf32, #tpu.memory_space<vmem>>
    tpu.enqueue_dma source(%dma_start3A_233 : memref<16x1024xf32, #tpu.memory_space<vmem>>) target(%dma_start3A_229 : memref<16x1024xf32, #tpu.memory_space<hbm>>) target_semaphore(%dma_start3A_227 : memref<!tpu.dma_semaphore, #tpu.memory_space<semaphore_mem>>)
    %add3A_234 = arith.constant 16 : i32
    %add3A_235 = arith.addi %mul3A_2, %add3A_234 : i32
    %dma_wait3A_236 = arith.constant 1 : i32
    %dma_wait3A_237 = arith.constant 1 : i32
    %dma_wait3A_238 = arith.constant 0 : i32
    %dma_wait3A_239 = arith.constant 0 : i32
    %dma_wait3A_240 = tpu.memref_slice %arg6[%dma_wait3A_236, %dma_wait3A_238, %dma_wait3A_239] : memref<6x16x1024xf32, #tpu.memory_space<vmem>> -> memref<1x16x1024xf32, #tpu.memory_space<vmem>>
    %dma_wait3A_241 = tpu.memref_squeeze %dma_wait3A_240 : memref<1x16x1024xf32, #tpu.memory_space<vmem>> -> memref<16x1024xf32, #tpu.memory_space<vmem>>
    %dma_wait3A_242 = arith.constant 0 : i32
    %dma_wait3A_243 = tpu.memref_slice %arg4[%add3A_235, %dma_wait3A_242] : memref<8192x1024xf32, #tpu.memory_space<hbm>> -> memref<16x1024xf32, #tpu.memory_space<hbm>>
    %dma_wait3A_244 = tpu.memref_slice %arg8[%dma_wait3A_237] : memref<6x!tpu.dma_semaphore, #tpu.memory_space<semaphore_mem>> -> memref<1x!tpu.dma_semaphore, #tpu.memory_space<semaphore_mem>>
    %dma_wait3A_245 = tpu.memref_squeeze %dma_wait3A_244 : memref<1x!tpu.dma_semaphore, #tpu.memory_space<semaphore_mem>> -> memref<!tpu.dma_semaphore, #tpu.memory_space<semaphore_mem>>
    %dma_wait3A_246 = arith.constant 0 : i32
    %dma_wait3A_247 = tpu.memref_slice %arg4[%add3A_235, %dma_wait3A_246] : memref<8192x1024xf32, #tpu.memory_space<hbm>> -> memref<16x1024xf32, #tpu.memory_space<hbm>>
    %dma_wait3A_248 = arith.constant 0 : i32
    %dma_wait3A_249 = arith.constant 0 : i32
    %dma_wait3A_250 = tpu.memref_slice %arg6[%dma_wait3A_236, %dma_wait3A_248, %dma_wait3A_249] : memref<6x16x1024xf32, #tpu.memory_space<vmem>> -> memref<1x16x1024xf32, #tpu.memory_space<vmem>>
    %dma_wait3A_251 = tpu.memref_squeeze %dma_wait3A_250 : memref<1x16x1024xf32, #tpu.memory_space<vmem>> -> memref<16x1024xf32, #tpu.memory_space<vmem>>
    tpu.wait_dma2 semaphore(%dma_wait3A_245 : memref<!tpu.dma_semaphore, #tpu.memory_space<semaphore_mem>>) src(%dma_wait3A_251 : memref<16x1024xf32, #tpu.memory_space<vmem>>) dst(%dma_wait3A_247 : memref<16x1024xf32, #tpu.memory_space<hbm>>)
    %dma_start3A_252 = arith.constant 1 : i32
    %dma_start3A_253 = arith.constant 1 : i32
    %dma_start3A_254 = arith.constant 0 : i32
    %dma_start3A_255 = arith.constant 0 : i32
    %dma_start3A_256 = tpu.memref_slice %arg6[%dma_start3A_252, %dma_start3A_254, %dma_start3A_255] : memref<6x16x1024xf32, #tpu.memory_space<vmem>> -> memref<1x16x1024xf32, #tpu.memory_space<vmem>>
    %dma_start3A_257 = tpu.memref_squeeze %dma_start3A_256 : memref<1x16x1024xf32, #tpu.memory_space<vmem>> -> memref<16x1024xf32, #tpu.memory_space<vmem>>
    %dma_start3A_258 = arith.constant 112 : i32
    %dma_start3A_259 = tpu.memref_slice %arg5[%dma_start3A_258] : memref<256xi32, #tpu.memory_space<vmem>> -> memref<16xi32, #tpu.memory_space<vmem>>
    %dma_start3A_260 = arith.constant 0 : i32
    %dma_start3A_261 = arith.constant 0 : i32
    %dma_start3A_262 = tpu.memref_slice %arg3[%dma_start3A_260, %dma_start3A_261] : memref<100000x1024xf32, #tpu.memory_space<hbm>> -> memref<100000x1024xf32, #tpu.memory_space<hbm>>
    %dma_start3A_263 = tpu.memref_slice %arg7[%dma_start3A_253] : memref<6x!tpu.dma_semaphore, #tpu.memory_space<semaphore_mem>> -> memref<1x!tpu.dma_semaphore, #tpu.memory_space<semaphore_mem>>
    %dma_start3A_264 = tpu.memref_squeeze %dma_start3A_263 : memref<1x!tpu.dma_semaphore, #tpu.memory_space<semaphore_mem>> -> memref<!tpu.dma_semaphore, #tpu.memory_space<semaphore_mem>>
    tpu.enqueue_indirect_dma source(%dma_start3A_262 : memref<100000x1024xf32, #tpu.memory_space<hbm>>) target(%dma_start3A_257 : memref<16x1024xf32, #tpu.memory_space<vmem>>) offsets(%dma_start3A_259 : memref<16xi32, #tpu.memory_space<vmem>>) semaphore(%dma_start3A_264 : memref<!tpu.dma_semaphore, #tpu.memory_space<semaphore_mem>>)
    %dma_wait3A_265 = arith.constant 4 : i32
    %dma_wait3A_266 = arith.constant 4 : i32
    %dma_wait3A_267 = arith.constant 0 : i32
    %dma_wait3A_268 = arith.constant 0 : i32
    %dma_wait3A_269 = tpu.memref_slice %arg6[%dma_wait3A_265, %dma_wait3A_267, %dma_wait3A_268] : memref<6x16x1024xf32, #tpu.memory_space<vmem>> -> memref<1x16x1024xf32, #tpu.memory_space<vmem>>
    %dma_wait3A_270 = tpu.memref_squeeze %dma_wait3A_269 : memref<1x16x1024xf32, #tpu.memory_space<vmem>> -> memref<16x1024xf32, #tpu.memory_space<vmem>>
    %dma_wait3A_271 = arith.constant 64 : i32
    %dma_wait3A_272 = tpu.memref_slice %arg5[%dma_wait3A_271] : memref<256xi32, #tpu.memory_space<vmem>> -> memref<16xi32, #tpu.memory_space<vmem>>
    %dma_wait3A_273 = arith.constant 0 : i32
    %dma_wait3A_274 = arith.constant 0 : i32
    %dma_wait3A_275 = tpu.memref_slice %arg3[%dma_wait3A_273, %dma_wait3A_274] : memref<100000x1024xf32, #tpu.memory_space<hbm>> -> memref<100000x1024xf32, #tpu.memory_space<hbm>>
    %dma_wait3A_276 = tpu.memref_slice %arg7[%dma_wait3A_266] : memref<6x!tpu.dma_semaphore, #tpu.memory_space<semaphore_mem>> -> memref<1x!tpu.dma_semaphore, #tpu.memory_space<semaphore_mem>>
    %dma_wait3A_277 = tpu.memref_squeeze %dma_wait3A_276 : memref<1x!tpu.dma_semaphore, #tpu.memory_space<semaphore_mem>> -> memref<!tpu.dma_semaphore, #tpu.memory_space<semaphore_mem>>
    tpu.wait_indirect_dma semaphore(%dma_wait3A_277 : memref<!tpu.dma_semaphore, #tpu.memory_space<semaphore_mem>>) src(%dma_wait3A_275 : memref<100000x1024xf32, #tpu.memory_space<hbm>>) dst(%dma_wait3A_270 : memref<16x1024xf32, #tpu.memory_space<vmem>>)
    %add3A_278 = arith.constant 64 : i32
    %add3A_279 = arith.addi %mul3A_2, %add3A_278 : i32
    %dma_start3A_280 = arith.constant 4 : i32
    %dma_start3A_281 = arith.constant 4 : i32
    %dma_start3A_282 = arith.constant 0 : i32
    %dma_start3A_283 = arith.constant 0 : i32
    %dma_start3A_284 = tpu.memref_slice %arg6[%dma_start3A_280, %dma_start3A_282, %dma_start3A_283] : memref<6x16x1024xf32, #tpu.memory_space<vmem>> -> memref<1x16x1024xf32, #tpu.memory_space<vmem>>
    %dma_start3A_285 = tpu.memref_squeeze %dma_start3A_284 : memref<1x16x1024xf32, #tpu.memory_space<vmem>> -> memref<16x1024xf32, #tpu.memory_space<vmem>>
    %dma_start3A_286 = arith.constant 0 : i32
    %dma_start3A_287 = tpu.memref_slice %arg4[%add3A_279, %dma_start3A_286] : memref<8192x1024xf32, #tpu.memory_space<hbm>> -> memref<16x1024xf32, #tpu.memory_space<hbm>>
    %dma_start3A_288 = tpu.memref_slice %arg8[%dma_start3A_281] : memref<6x!tpu.dma_semaphore, #tpu.memory_space<semaphore_mem>> -> memref<1x!tpu.dma_semaphore, #tpu.memory_space<semaphore_mem>>
    %dma_start3A_289 = tpu.memref_squeeze %dma_start3A_288 : memref<1x!tpu.dma_semaphore, #tpu.memory_space<semaphore_mem>> -> memref<!tpu.dma_semaphore, #tpu.memory_space<semaphore_mem>>
    %dma_start3A_290 = arith.constant 0 : i32
    %dma_start3A_291 = tpu.memref_slice %arg4[%add3A_279, %dma_start3A_290] : memref<8192x1024xf32, #tpu.memory_space<hbm>> -> memref<16x1024xf32, #tpu.memory_space<hbm>>
    %dma_start3A_292 = arith.constant 0 : i32
    %dma_start3A_293 = arith.constant 0 : i32
    %dma_start3A_294 = tpu.memref_slice %arg6[%dma_start3A_280, %dma_start3A_292, %dma_start3A_293] : memref<6x16x1024xf32, #tpu.memory_space<vmem>> -> memref<1x16x1024xf32, #tpu.memory_space<vmem>>
    %dma_start3A_295 = tpu.memref_squeeze %dma_start3A_294 : memref<1x16x1024xf32, #tpu.memory_space<vmem>> -> memref<16x1024xf32, #tpu.memory_space<vmem>>
    tpu.enqueue_dma source(%dma_start3A_295 : memref<16x1024xf32, #tpu.memory_space<vmem>>) target(%dma_start3A_291 : memref<16x1024xf32, #tpu.memory_space<hbm>>) target_semaphore(%dma_start3A_289 : memref<!tpu.dma_semaphore, #tpu.memory_space<semaphore_mem>>)
    %add3A_296 = arith.constant 32 : i32
    %add3A_297 = arith.addi %mul3A_2, %add3A_296 : i32
    %dma_wait3A_298 = arith.constant 2 : i32
    %dma_wait3A_299 = arith.constant 2 : i32
    %dma_wait3A_300 = arith.constant 0 : i32
    %dma_wait3A_301 = arith.constant 0 : i32
    %dma_wait3A_302 = tpu.memref_slice %arg6[%dma_wait3A_298, %dma_wait3A_300, %dma_wait3A_301] : memref<6x16x1024xf32, #tpu.memory_space<vmem>> -> memref<1x16x1024xf32, #tpu.memory_space<vmem>>
    %dma_wait3A_303 = tpu.memref_squeeze %dma_wait3A_302 : memref<1x16x1024xf32, #tpu.memory_space<vmem>> -> memref<16x1024xf32, #tpu.memory_space<vmem>>
    %dma_wait3A_304 = arith.constant 0 : i32
    %dma_wait3A_305 = tpu.memref_slice %arg4[%add3A_297, %dma_wait3A_304] : memref<8192x1024xf32, #tpu.memory_space<hbm>> -> memref<16x1024xf32, #tpu.memory_space<hbm>>
    %dma_wait3A_306 = tpu.memref_slice %arg8[%dma_wait3A_299] : memref<6x!tpu.dma_semaphore, #tpu.memory_space<semaphore_mem>> -> memref<1x!tpu.dma_semaphore, #tpu.memory_space<semaphore_mem>>
    %dma_wait3A_307 = tpu.memref_squeeze %dma_wait3A_306 : memref<1x!tpu.dma_semaphore, #tpu.memory_space<semaphore_mem>> -> memref<!tpu.dma_semaphore, #tpu.memory_space<semaphore_mem>>
    %dma_wait3A_308 = arith.constant 0 : i32
    %dma_wait3A_309 = tpu.memref_slice %arg4[%add3A_297, %dma_wait3A_308] : memref<8192x1024xf32, #tpu.memory_space<hbm>> -> memref<16x1024xf32, #tpu.memory_space<hbm>>
    %dma_wait3A_310 = arith.constant 0 : i32
    %dma_wait3A_311 = arith.constant 0 : i32
    %dma_wait3A_312 = tpu.memref_slice %arg6[%dma_wait3A_298, %dma_wait3A_310, %dma_wait3A_311] : memref<6x16x1024xf32, #tpu.memory_space<vmem>> -> memref<1x16x1024xf32, #tpu.memory_space<vmem>>
    %dma_wait3A_313 = tpu.memref_squeeze %dma_wait3A_312 : memref<1x16x1024xf32, #tpu.memory_space<vmem>> -> memref<16x1024xf32, #tpu.memory_space<vmem>>
    tpu.wait_dma2 semaphore(%dma_wait3A_307 : memref<!tpu.dma_semaphore, #tpu.memory_space<semaphore_mem>>) src(%dma_wait3A_313 : memref<16x1024xf32, #tpu.memory_space<vmem>>) dst(%dma_wait3A_309 : memref<16x1024xf32, #tpu.memory_space<hbm>>)
    %dma_start3A_314 = arith.constant 2 : i32
    %dma_start3A_315 = arith.constant 2 : i32
    %dma_start3A_316 = arith.constant 0 : i32
    %dma_start3A_317 = arith.constant 0 : i32
    %dma_start3A_318 = tpu.memref_slice %arg6[%dma_start3A_314, %dma_start3A_316, %dma_start3A_317] : memref<6x16x1024xf32, #tpu.memory_space<vmem>> -> memref<1x16x1024xf32, #tpu.memory_space<vmem>>
    %dma_start3A_319 = tpu.memref_squeeze %dma_start3A_318 : memref<1x16x1024xf32, #tpu.memory_space<vmem>> -> memref<16x1024xf32, #tpu.memory_space<vmem>>
    %dma_start3A_320 = arith.constant 128 : i32
    %dma_start3A_321 = tpu.memref_slice %arg5[%dma_start3A_320] : memref<256xi32, #tpu.memory_space<vmem>> -> memref<16xi32, #tpu.memory_space<vmem>>
    %dma_start3A_322 = arith.constant 0 : i32
    %dma_start3A_323 = arith.constant 0 : i32
    %dma_start3A_324 = tpu.memref_slice %arg3[%dma_start3A_322, %dma_start3A_323] : memref<100000x1024xf32, #tpu.memory_space<hbm>> -> memref<100000x1024xf32, #tpu.memory_space<hbm>>
    %dma_start3A_325 = tpu.memref_slice %arg7[%dma_start3A_315] : memref<6x!tpu.dma_semaphore, #tpu.memory_space<semaphore_mem>> -> memref<1x!tpu.dma_semaphore, #tpu.memory_space<semaphore_mem>>
    %dma_start3A_326 = tpu.memref_squeeze %dma_start3A_325 : memref<1x!tpu.dma_semaphore, #tpu.memory_space<semaphore_mem>> -> memref<!tpu.dma_semaphore, #tpu.memory_space<semaphore_mem>>
    tpu.enqueue_indirect_dma source(%dma_start3A_324 : memref<100000x1024xf32, #tpu.memory_space<hbm>>) target(%dma_start3A_319 : memref<16x1024xf32, #tpu.memory_space<vmem>>) offsets(%dma_start3A_321 : memref<16xi32, #tpu.memory_space<vmem>>) semaphore(%dma_start3A_326 : memref<!tpu.dma_semaphore, #tpu.memory_space<semaphore_mem>>)
    %dma_wait3A_327 = arith.constant 5 : i32
    %dma_wait3A_328 = arith.constant 5 : i32
    %dma_wait3A_329 = arith.constant 0 : i32
    %dma_wait3A_330 = arith.constant 0 : i32
    %dma_wait3A_331 = tpu.memref_slice %arg6[%dma_wait3A_327, %dma_wait3A_329, %dma_wait3A_330] : memref<6x16x1024xf32, #tpu.memory_space<vmem>> -> memref<1x16x1024xf32, #tpu.memory_space<vmem>>
    %dma_wait3A_332 = tpu.memref_squeeze %dma_wait3A_331 : memref<1x16x1024xf32, #tpu.memory_space<vmem>> -> memref<16x1024xf32, #tpu.memory_space<vmem>>
    %dma_wait3A_333 = arith.constant 80 : i32
    %dma_wait3A_334 = tpu.memref_slice %arg5[%dma_wait3A_333] : memref<256xi32, #tpu.memory_space<vmem>> -> memref<16xi32, #tpu.memory_space<vmem>>
    %dma_wait3A_335 = arith.constant 0 : i32
    %dma_wait3A_336 = arith.constant 0 : i32
    %dma_wait3A_337 = tpu.memref_slice %arg3[%dma_wait3A_335, %dma_wait3A_336] : memref<100000x1024xf32, #tpu.memory_space<hbm>> -> memref<100000x1024xf32, #tpu.memory_space<hbm>>
    %dma_wait3A_338 = tpu.memref_slice %arg7[%dma_wait3A_328] : memref<6x!tpu.dma_semaphore, #tpu.memory_space<semaphore_mem>> -> memref<1x!tpu.dma_semaphore, #tpu.memory_space<semaphore_mem>>
    %dma_wait3A_339 = tpu.memref_squeeze %dma_wait3A_338 : memref<1x!tpu.dma_semaphore, #tpu.memory_space<semaphore_mem>> -> memref<!tpu.dma_semaphore, #tpu.memory_space<semaphore_mem>>
    tpu.wait_indirect_dma semaphore(%dma_wait3A_339 : memref<!tpu.dma_semaphore, #tpu.memory_space<semaphore_mem>>) src(%dma_wait3A_337 : memref<100000x1024xf32, #tpu.memory_space<hbm>>) dst(%dma_wait3A_332 : memref<16x1024xf32, #tpu.memory_space<vmem>>)
    %add3A_340 = arith.constant 80 : i32
    %add3A_341 = arith.addi %mul3A_2, %add3A_340 : i32
    %dma_start3A_342 = arith.constant 5 : i32
    %dma_start3A_343 = arith.constant 5 : i32
    %dma_start3A_344 = arith.constant 0 : i32
    %dma_start3A_345 = arith.constant 0 : i32
    %dma_start3A_346 = tpu.memref_slice %arg6[%dma_start3A_342, %dma_start3A_344, %dma_start3A_345] : memref<6x16x1024xf32, #tpu.memory_space<vmem>> -> memref<1x16x1024xf32, #tpu.memory_space<vmem>>
    %dma_start3A_347 = tpu.memref_squeeze %dma_start3A_346 : memref<1x16x1024xf32, #tpu.memory_space<vmem>> -> memref<16x1024xf32, #tpu.memory_space<vmem>>
    %dma_start3A_348 = arith.constant 0 : i32
    %dma_start3A_349 = tpu.memref_slice %arg4[%add3A_341, %dma_start3A_348] : memref<8192x1024xf32, #tpu.memory_space<hbm>> -> memref<16x1024xf32, #tpu.memory_space<hbm>>
    %dma_start3A_350 = tpu.memref_slice %arg8[%dma_start3A_343] : memref<6x!tpu.dma_semaphore, #tpu.memory_space<semaphore_mem>> -> memref<1x!tpu.dma_semaphore, #tpu.memory_space<semaphore_mem>>
    %dma_start3A_351 = tpu.memref_squeeze %dma_start3A_350 : memref<1x!tpu.dma_semaphore, #tpu.memory_space<semaphore_mem>> -> memref<!tpu.dma_semaphore, #tpu.memory_space<semaphore_mem>>
    %dma_start3A_352 = arith.constant 0 : i32
    %dma_start3A_353 = tpu.memref_slice %arg4[%add3A_341, %dma_start3A_352] : memref<8192x1024xf32, #tpu.memory_space<hbm>> -> memref<16x1024xf32, #tpu.memory_space<hbm>>
    %dma_start3A_354 = arith.constant 0 : i32
    %dma_start3A_355 = arith.constant 0 : i32
    %dma_start3A_356 = tpu.memref_slice %arg6[%dma_start3A_342, %dma_start3A_354, %dma_start3A_355] : memref<6x16x1024xf32, #tpu.memory_space<vmem>> -> memref<1x16x1024xf32, #tpu.memory_space<vmem>>
    %dma_start3A_357 = tpu.memref_squeeze %dma_start3A_356 : memref<1x16x1024xf32, #tpu.memory_space<vmem>> -> memref<16x1024xf32, #tpu.memory_space<vmem>>
    tpu.enqueue_dma source(%dma_start3A_357 : memref<16x1024xf32, #tpu.memory_space<vmem>>) target(%dma_start3A_353 : memref<16x1024xf32, #tpu.memory_space<hbm>>) target_semaphore(%dma_start3A_351 : memref<!tpu.dma_semaphore, #tpu.memory_space<semaphore_mem>>)
    %add3A_358 = arith.constant 48 : i32
    %add3A_359 = arith.addi %mul3A_2, %add3A_358 : i32
    %dma_wait3A_360 = arith.constant 3 : i32
    %dma_wait3A_361 = arith.constant 3 : i32
    %dma_wait3A_362 = arith.constant 0 : i32
    %dma_wait3A_363 = arith.constant 0 : i32
    %dma_wait3A_364 = tpu.memref_slice %arg6[%dma_wait3A_360, %dma_wait3A_362, %dma_wait3A_363] : memref<6x16x1024xf32, #tpu.memory_space<vmem>> -> memref<1x16x1024xf32, #tpu.memory_space<vmem>>
    %dma_wait3A_365 = tpu.memref_squeeze %dma_wait3A_364 : memref<1x16x1024xf32, #tpu.memory_space<vmem>> -> memref<16x1024xf32, #tpu.memory_space<vmem>>
    %dma_wait3A_366 = arith.constant 0 : i32
    %dma_wait3A_367 = tpu.memref_slice %arg4[%add3A_359, %dma_wait3A_366] : memref<8192x1024xf32, #tpu.memory_space<hbm>> -> memref<16x1024xf32, #tpu.memory_space<hbm>>
    %dma_wait3A_368 = tpu.memref_slice %arg8[%dma_wait3A_361] : memref<6x!tpu.dma_semaphore, #tpu.memory_space<semaphore_mem>> -> memref<1x!tpu.dma_semaphore, #tpu.memory_space<semaphore_mem>>
    %dma_wait3A_369 = tpu.memref_squeeze %dma_wait3A_368 : memref<1x!tpu.dma_semaphore, #tpu.memory_space<semaphore_mem>> -> memref<!tpu.dma_semaphore, #tpu.memory_space<semaphore_mem>>
    %dma_wait3A_370 = arith.constant 0 : i32
    %dma_wait3A_371 = tpu.memref_slice %arg4[%add3A_359, %dma_wait3A_370] : memref<8192x1024xf32, #tpu.memory_space<hbm>> -> memref<16x1024xf32, #tpu.memory_space<hbm>>
    %dma_wait3A_372 = arith.constant 0 : i32
    %dma_wait3A_373 = arith.constant 0 : i32
    %dma_wait3A_374 = tpu.memref_slice %arg6[%dma_wait3A_360, %dma_wait3A_372, %dma_wait3A_373] : memref<6x16x1024xf32, #tpu.memory_space<vmem>> -> memref<1x16x1024xf32, #tpu.memory_space<vmem>>
    %dma_wait3A_375 = tpu.memref_squeeze %dma_wait3A_374 : memref<1x16x1024xf32, #tpu.memory_space<vmem>> -> memref<16x1024xf32, #tpu.memory_space<vmem>>
    tpu.wait_dma2 semaphore(%dma_wait3A_369 : memref<!tpu.dma_semaphore, #tpu.memory_space<semaphore_mem>>) src(%dma_wait3A_375 : memref<16x1024xf32, #tpu.memory_space<vmem>>) dst(%dma_wait3A_371 : memref<16x1024xf32, #tpu.memory_space<hbm>>)
    %dma_start3A_376 = arith.constant 3 : i32
    %dma_start3A_377 = arith.constant 3 : i32
    %dma_start3A_378 = arith.constant 0 : i32
    %dma_start3A_379 = arith.constant 0 : i32
    %dma_start3A_380 = tpu.memref_slice %arg6[%dma_start3A_376, %dma_start3A_378, %dma_start3A_379] : memref<6x16x1024xf32, #tpu.memory_space<vmem>> -> memref<1x16x1024xf32, #tpu.memory_space<vmem>>
    %dma_start3A_381 = tpu.memref_squeeze %dma_start3A_380 : memref<1x16x1024xf32, #tpu.memory_space<vmem>> -> memref<16x1024xf32, #tpu.memory_space<vmem>>
    %dma_start3A_382 = arith.constant 144 : i32
    %dma_start3A_383 = tpu.memref_slice %arg5[%dma_start3A_382] : memref<256xi32, #tpu.memory_space<vmem>> -> memref<16xi32, #tpu.memory_space<vmem>>
    %dma_start3A_384 = arith.constant 0 : i32
    %dma_start3A_385 = arith.constant 0 : i32
    %dma_start3A_386 = tpu.memref_slice %arg3[%dma_start3A_384, %dma_start3A_385] : memref<100000x1024xf32, #tpu.memory_space<hbm>> -> memref<100000x1024xf32, #tpu.memory_space<hbm>>
    %dma_start3A_387 = tpu.memref_slice %arg7[%dma_start3A_377] : memref<6x!tpu.dma_semaphore, #tpu.memory_space<semaphore_mem>> -> memref<1x!tpu.dma_semaphore, #tpu.memory_space<semaphore_mem>>
    %dma_start3A_388 = tpu.memref_squeeze %dma_start3A_387 : memref<1x!tpu.dma_semaphore, #tpu.memory_space<semaphore_mem>> -> memref<!tpu.dma_semaphore, #tpu.memory_space<semaphore_mem>>
    tpu.enqueue_indirect_dma source(%dma_start3A_386 : memref<100000x1024xf32, #tpu.memory_space<hbm>>) target(%dma_start3A_381 : memref<16x1024xf32, #tpu.memory_space<vmem>>) offsets(%dma_start3A_383 : memref<16xi32, #tpu.memory_space<vmem>>) semaphore(%dma_start3A_388 : memref<!tpu.dma_semaphore, #tpu.memory_space<semaphore_mem>>)
    %dma_wait3A_389 = arith.constant 0 : i32
    %dma_wait3A_390 = arith.constant 0 : i32
    %dma_wait3A_391 = arith.constant 0 : i32
    %dma_wait3A_392 = arith.constant 0 : i32
    %dma_wait3A_393 = tpu.memref_slice %arg6[%dma_wait3A_389, %dma_wait3A_391, %dma_wait3A_392] : memref<6x16x1024xf32, #tpu.memory_space<vmem>> -> memref<1x16x1024xf32, #tpu.memory_space<vmem>>
    %dma_wait3A_394 = tpu.memref_squeeze %dma_wait3A_393 : memref<1x16x1024xf32, #tpu.memory_space<vmem>> -> memref<16x1024xf32, #tpu.memory_space<vmem>>
    %dma_wait3A_395 = arith.constant 96 : i32
    %dma_wait3A_396 = tpu.memref_slice %arg5[%dma_wait3A_395] : memref<256xi32, #tpu.memory_space<vmem>> -> memref<16xi32, #tpu.memory_space<vmem>>
    %dma_wait3A_397 = arith.constant 0 : i32
    %dma_wait3A_398 = arith.constant 0 : i32
    %dma_wait3A_399 = tpu.memref_slice %arg3[%dma_wait3A_397, %dma_wait3A_398] : memref<100000x1024xf32, #tpu.memory_space<hbm>> -> memref<100000x1024xf32, #tpu.memory_space<hbm>>
    %dma_wait3A_400 = tpu.memref_slice %arg7[%dma_wait3A_390] : memref<6x!tpu.dma_semaphore, #tpu.memory_space<semaphore_mem>> -> memref<1x!tpu.dma_semaphore, #tpu.memory_space<semaphore_mem>>
    %dma_wait3A_401 = tpu.memref_squeeze %dma_wait3A_400 : memref<1x!tpu.dma_semaphore, #tpu.memory_space<semaphore_mem>> -> memref<!tpu.dma_semaphore, #tpu.memory_space<semaphore_mem>>
    tpu.wait_indirect_dma semaphore(%dma_wait3A_401 : memref<!tpu.dma_semaphore, #tpu.memory_space<semaphore_mem>>) src(%dma_wait3A_399 : memref<100000x1024xf32, #tpu.memory_space<hbm>>) dst(%dma_wait3A_394 : memref<16x1024xf32, #tpu.memory_space<vmem>>)
    %add3A_402 = arith.constant 96 : i32
    %add3A_403 = arith.addi %mul3A_2, %add3A_402 : i32
    %dma_start3A_404 = arith.constant 0 : i32
    %dma_start3A_405 = arith.constant 0 : i32
    %dma_start3A_406 = arith.constant 0 : i32
    %dma_start3A_407 = arith.constant 0 : i32
    %dma_start3A_408 = tpu.memref_slice %arg6[%dma_start3A_404, %dma_start3A_406, %dma_start3A_407] : memref<6x16x1024xf32, #tpu.memory_space<vmem>> -> memref<1x16x1024xf32, #tpu.memory_space<vmem>>
    %dma_start3A_409 = tpu.memref_squeeze %dma_start3A_408 : memref<1x16x1024xf32, #tpu.memory_space<vmem>> -> memref<16x1024xf32, #tpu.memory_space<vmem>>
    %dma_start3A_410 = arith.constant 0 : i32
    %dma_start3A_411 = tpu.memref_slice %arg4[%add3A_403, %dma_start3A_410] : memref<8192x1024xf32, #tpu.memory_space<hbm>> -> memref<16x1024xf32, #tpu.memory_space<hbm>>
    %dma_start3A_412 = tpu.memref_slice %arg8[%dma_start3A_405] : memref<6x!tpu.dma_semaphore, #tpu.memory_space<semaphore_mem>> -> memref<1x!tpu.dma_semaphore, #tpu.memory_space<semaphore_mem>>
    %dma_start3A_413 = tpu.memref_squeeze %dma_start3A_412 : memref<1x!tpu.dma_semaphore, #tpu.memory_space<semaphore_mem>> -> memref<!tpu.dma_semaphore, #tpu.memory_space<semaphore_mem>>
    %dma_start3A_414 = arith.constant 0 : i32
    %dma_start3A_415 = tpu.memref_slice %arg4[%add3A_403, %dma_start3A_414] : memref<8192x1024xf32, #tpu.memory_space<hbm>> -> memref<16x1024xf32, #tpu.memory_space<hbm>>
    %dma_start3A_416 = arith.constant 0 : i32
    %dma_start3A_417 = arith.constant 0 : i32
    %dma_start3A_418 = tpu.memref_slice %arg6[%dma_start3A_404, %dma_start3A_416, %dma_start3A_417] : memref<6x16x1024xf32, #tpu.memory_space<vmem>> -> memref<1x16x1024xf32, #tpu.memory_space<vmem>>
    %dma_start3A_419 = tpu.memref_squeeze %dma_start3A_418 : memref<1x16x1024xf32, #tpu.memory_space<vmem>> -> memref<16x1024xf32, #tpu.memory_space<vmem>>
    tpu.enqueue_dma source(%dma_start3A_419 : memref<16x1024xf32, #tpu.memory_space<vmem>>) target(%dma_start3A_415 : memref<16x1024xf32, #tpu.memory_space<hbm>>) target_semaphore(%dma_start3A_413 : memref<!tpu.dma_semaphore, #tpu.memory_space<semaphore_mem>>)
    %add3A_420 = arith.constant 64 : i32
    %add3A_421 = arith.addi %mul3A_2, %add3A_420 : i32
    %dma_wait3A_422 = arith.constant 4 : i32
    %dma_wait3A_423 = arith.constant 4 : i32
    %dma_wait3A_424 = arith.constant 0 : i32
    %dma_wait3A_425 = arith.constant 0 : i32
    %dma_wait3A_426 = tpu.memref_slice %arg6[%dma_wait3A_422, %dma_wait3A_424, %dma_wait3A_425] : memref<6x16x1024xf32, #tpu.memory_space<vmem>> -> memref<1x16x1024xf32, #tpu.memory_space<vmem>>
    %dma_wait3A_427 = tpu.memref_squeeze %dma_wait3A_426 : memref<1x16x1024xf32, #tpu.memory_space<vmem>> -> memref<16x1024xf32, #tpu.memory_space<vmem>>
    %dma_wait3A_428 = arith.constant 0 : i32
    %dma_wait3A_429 = tpu.memref_slice %arg4[%add3A_421, %dma_wait3A_428] : memref<8192x1024xf32, #tpu.memory_space<hbm>> -> memref<16x1024xf32, #tpu.memory_space<hbm>>
    %dma_wait3A_430 = tpu.memref_slice %arg8[%dma_wait3A_423] : memref<6x!tpu.dma_semaphore, #tpu.memory_space<semaphore_mem>> -> memref<1x!tpu.dma_semaphore, #tpu.memory_space<semaphore_mem>>
    %dma_wait3A_431 = tpu.memref_squeeze %dma_wait3A_430 : memref<1x!tpu.dma_semaphore, #tpu.memory_space<semaphore_mem>> -> memref<!tpu.dma_semaphore, #tpu.memory_space<semaphore_mem>>
    %dma_wait3A_432 = arith.constant 0 : i32
    %dma_wait3A_433 = tpu.memref_slice %arg4[%add3A_421, %dma_wait3A_432] : memref<8192x1024xf32, #tpu.memory_space<hbm>> -> memref<16x1024xf32, #tpu.memory_space<hbm>>
    %dma_wait3A_434 = arith.constant 0 : i32
    %dma_wait3A_435 = arith.constant 0 : i32
    %dma_wait3A_436 = tpu.memref_slice %arg6[%dma_wait3A_422, %dma_wait3A_434, %dma_wait3A_435] : memref<6x16x1024xf32, #tpu.memory_space<vmem>> -> memref<1x16x1024xf32, #tpu.memory_space<vmem>>
    %dma_wait3A_437 = tpu.memref_squeeze %dma_wait3A_436 : memref<1x16x1024xf32, #tpu.memory_space<vmem>> -> memref<16x1024xf32, #tpu.memory_space<vmem>>
    tpu.wait_dma2 semaphore(%dma_wait3A_431 : memref<!tpu.dma_semaphore, #tpu.memory_space<semaphore_mem>>) src(%dma_wait3A_437 : memref<16x1024xf32, #tpu.memory_space<vmem>>) dst(%dma_wait3A_433 : memref<16x1024xf32, #tpu.memory_space<hbm>>)
    %dma_start3A_438 = arith.constant 4 : i32
    %dma_start3A_439 = arith.constant 4 : i32
    %dma_start3A_440 = arith.constant 0 : i32
    %dma_start3A_441 = arith.constant 0 : i32
    %dma_start3A_442 = tpu.memref_slice %arg6[%dma_start3A_438, %dma_start3A_440, %dma_start3A_441] : memref<6x16x1024xf32, #tpu.memory_space<vmem>> -> memref<1x16x1024xf32, #tpu.memory_space<vmem>>
    %dma_start3A_443 = tpu.memref_squeeze %dma_start3A_442 : memref<1x16x1024xf32, #tpu.memory_space<vmem>> -> memref<16x1024xf32, #tpu.memory_space<vmem>>
    %dma_start3A_444 = arith.constant 160 : i32
    %dma_start3A_445 = tpu.memref_slice %arg5[%dma_start3A_444] : memref<256xi32, #tpu.memory_space<vmem>> -> memref<16xi32, #tpu.memory_space<vmem>>
    %dma_start3A_446 = arith.constant 0 : i32
    %dma_start3A_447 = arith.constant 0 : i32
    %dma_start3A_448 = tpu.memref_slice %arg3[%dma_start3A_446, %dma_start3A_447] : memref<100000x1024xf32, #tpu.memory_space<hbm>> -> memref<100000x1024xf32, #tpu.memory_space<hbm>>
    %dma_start3A_449 = tpu.memref_slice %arg7[%dma_start3A_439] : memref<6x!tpu.dma_semaphore, #tpu.memory_space<semaphore_mem>> -> memref<1x!tpu.dma_semaphore, #tpu.memory_space<semaphore_mem>>
    %dma_start3A_450 = tpu.memref_squeeze %dma_start3A_449 : memref<1x!tpu.dma_semaphore, #tpu.memory_space<semaphore_mem>> -> memref<!tpu.dma_semaphore, #tpu.memory_space<semaphore_mem>>
    tpu.enqueue_indirect_dma source(%dma_start3A_448 : memref<100000x1024xf32, #tpu.memory_space<hbm>>) target(%dma_start3A_443 : memref<16x1024xf32, #tpu.memory_space<vmem>>) offsets(%dma_start3A_445 : memref<16xi32, #tpu.memory_space<vmem>>) semaphore(%dma_start3A_450 : memref<!tpu.dma_semaphore, #tpu.memory_space<semaphore_mem>>)
    %dma_wait3A_451 = arith.constant 1 : i32
    %dma_wait3A_452 = arith.constant 1 : i32
    %dma_wait3A_453 = arith.constant 0 : i32
    %dma_wait3A_454 = arith.constant 0 : i32
    %dma_wait3A_455 = tpu.memref_slice %arg6[%dma_wait3A_451, %dma_wait3A_453, %dma_wait3A_454] : memref<6x16x1024xf32, #tpu.memory_space<vmem>> -> memref<1x16x1024xf32, #tpu.memory_space<vmem>>
    %dma_wait3A_456 = tpu.memref_squeeze %dma_wait3A_455 : memref<1x16x1024xf32, #tpu.memory_space<vmem>> -> memref<16x1024xf32, #tpu.memory_space<vmem>>
    %dma_wait3A_457 = arith.constant 112 : i32
    %dma_wait3A_458 = tpu.memref_slice %arg5[%dma_wait3A_457] : memref<256xi32, #tpu.memory_space<vmem>> -> memref<16xi32, #tpu.memory_space<vmem>>
    %dma_wait3A_459 = arith.constant 0 : i32
    %dma_wait3A_460 = arith.constant 0 : i32
    %dma_wait3A_461 = tpu.memref_slice %arg3[%dma_wait3A_459, %dma_wait3A_460] : memref<100000x1024xf32, #tpu.memory_space<hbm>> -> memref<100000x1024xf32, #tpu.memory_space<hbm>>
    %dma_wait3A_462 = tpu.memref_slice %arg7[%dma_wait3A_452] : memref<6x!tpu.dma_semaphore, #tpu.memory_space<semaphore_mem>> -> memref<1x!tpu.dma_semaphore, #tpu.memory_space<semaphore_mem>>
    %dma_wait3A_463 = tpu.memref_squeeze %dma_wait3A_462 : memref<1x!tpu.dma_semaphore, #tpu.memory_space<semaphore_mem>> -> memref<!tpu.dma_semaphore, #tpu.memory_space<semaphore_mem>>
    tpu.wait_indirect_dma semaphore(%dma_wait3A_463 : memref<!tpu.dma_semaphore, #tpu.memory_space<semaphore_mem>>) src(%dma_wait3A_461 : memref<100000x1024xf32, #tpu.memory_space<hbm>>) dst(%dma_wait3A_456 : memref<16x1024xf32, #tpu.memory_space<vmem>>)
    %add3A_464 = arith.constant 112 : i32
    %add3A_465 = arith.addi %mul3A_2, %add3A_464 : i32
    %dma_start3A_466 = arith.constant 1 : i32
    %dma_start3A_467 = arith.constant 1 : i32
    %dma_start3A_468 = arith.constant 0 : i32
    %dma_start3A_469 = arith.constant 0 : i32
    %dma_start3A_470 = tpu.memref_slice %arg6[%dma_start3A_466, %dma_start3A_468, %dma_start3A_469] : memref<6x16x1024xf32, #tpu.memory_space<vmem>> -> memref<1x16x1024xf32, #tpu.memory_space<vmem>>
    %dma_start3A_471 = tpu.memref_squeeze %dma_start3A_470 : memref<1x16x1024xf32, #tpu.memory_space<vmem>> -> memref<16x1024xf32, #tpu.memory_space<vmem>>
    %dma_start3A_472 = arith.constant 0 : i32
    %dma_start3A_473 = tpu.memref_slice %arg4[%add3A_465, %dma_start3A_472] : memref<8192x1024xf32, #tpu.memory_space<hbm>> -> memref<16x1024xf32, #tpu.memory_space<hbm>>
    %dma_start3A_474 = tpu.memref_slice %arg8[%dma_start3A_467] : memref<6x!tpu.dma_semaphore, #tpu.memory_space<semaphore_mem>> -> memref<1x!tpu.dma_semaphore, #tpu.memory_space<semaphore_mem>>
    %dma_start3A_475 = tpu.memref_squeeze %dma_start3A_474 : memref<1x!tpu.dma_semaphore, #tpu.memory_space<semaphore_mem>> -> memref<!tpu.dma_semaphore, #tpu.memory_space<semaphore_mem>>
    %dma_start3A_476 = arith.constant 0 : i32
    %dma_start3A_477 = tpu.memref_slice %arg4[%add3A_465, %dma_start3A_476] : memref<8192x1024xf32, #tpu.memory_space<hbm>> -> memref<16x1024xf32, #tpu.memory_space<hbm>>
    %dma_start3A_478 = arith.constant 0 : i32
    %dma_start3A_479 = arith.constant 0 : i32
    %dma_start3A_480 = tpu.memref_slice %arg6[%dma_start3A_466, %dma_start3A_478, %dma_start3A_479] : memref<6x16x1024xf32, #tpu.memory_space<vmem>> -> memref<1x16x1024xf32, #tpu.memory_space<vmem>>
    %dma_start3A_481 = tpu.memref_squeeze %dma_start3A_480 : memref<1x16x1024xf32, #tpu.memory_space<vmem>> -> memref<16x1024xf32, #tpu.memory_space<vmem>>
    tpu.enqueue_dma source(%dma_start3A_481 : memref<16x1024xf32, #tpu.memory_space<vmem>>) target(%dma_start3A_477 : memref<16x1024xf32, #tpu.memory_space<hbm>>) target_semaphore(%dma_start3A_475 : memref<!tpu.dma_semaphore, #tpu.memory_space<semaphore_mem>>)
    %add3A_482 = arith.constant 80 : i32
    %add3A_483 = arith.addi %mul3A_2, %add3A_482 : i32
    %dma_wait3A_484 = arith.constant 5 : i32
    %dma_wait3A_485 = arith.constant 5 : i32
    %dma_wait3A_486 = arith.constant 0 : i32
    %dma_wait3A_487 = arith.constant 0 : i32
    %dma_wait3A_488 = tpu.memref_slice %arg6[%dma_wait3A_484, %dma_wait3A_486, %dma_wait3A_487] : memref<6x16x1024xf32, #tpu.memory_space<vmem>> -> memref<1x16x1024xf32, #tpu.memory_space<vmem>>
    %dma_wait3A_489 = tpu.memref_squeeze %dma_wait3A_488 : memref<1x16x1024xf32, #tpu.memory_space<vmem>> -> memref<16x1024xf32, #tpu.memory_space<vmem>>
    %dma_wait3A_490 = arith.constant 0 : i32
    %dma_wait3A_491 = tpu.memref_slice %arg4[%add3A_483, %dma_wait3A_490] : memref<8192x1024xf32, #tpu.memory_space<hbm>> -> memref<16x1024xf32, #tpu.memory_space<hbm>>
    %dma_wait3A_492 = tpu.memref_slice %arg8[%dma_wait3A_485] : memref<6x!tpu.dma_semaphore, #tpu.memory_space<semaphore_mem>> -> memref<1x!tpu.dma_semaphore, #tpu.memory_space<semaphore_mem>>
    %dma_wait3A_493 = tpu.memref_squeeze %dma_wait3A_492 : memref<1x!tpu.dma_semaphore, #tpu.memory_space<semaphore_mem>> -> memref<!tpu.dma_semaphore, #tpu.memory_space<semaphore_mem>>
    %dma_wait3A_494 = arith.constant 0 : i32
    %dma_wait3A_495 = tpu.memref_slice %arg4[%add3A_483, %dma_wait3A_494] : memref<8192x1024xf32, #tpu.memory_space<hbm>> -> memref<16x1024xf32, #tpu.memory_space<hbm>>
    %dma_wait3A_496 = arith.constant 0 : i32
    %dma_wait3A_497 = arith.constant 0 : i32
    %dma_wait3A_498 = tpu.memref_slice %arg6[%dma_wait3A_484, %dma_wait3A_496, %dma_wait3A_497] : memref<6x16x1024xf32, #tpu.memory_space<vmem>> -> memref<1x16x1024xf32, #tpu.memory_space<vmem>>
    %dma_wait3A_499 = tpu.memref_squeeze %dma_wait3A_498 : memref<1x16x1024xf32, #tpu.memory_space<vmem>> -> memref<16x1024xf32, #tpu.memory_space<vmem>>
    tpu.wait_dma2 semaphore(%dma_wait3A_493 : memref<!tpu.dma_semaphore, #tpu.memory_space<semaphore_mem>>) src(%dma_wait3A_499 : memref<16x1024xf32, #tpu.memory_space<vmem>>) dst(%dma_wait3A_495 : memref<16x1024xf32, #tpu.memory_space<hbm>>)
    %dma_start3A_500 = arith.constant 5 : i32
    %dma_start3A_501 = arith.constant 5 : i32
    %dma_start3A_502 = arith.constant 0 : i32
    %dma_start3A_503 = arith.constant 0 : i32
    %dma_start3A_504 = tpu.memref_slice %arg6[%dma_start3A_500, %dma_start3A_502, %dma_start3A_503] : memref<6x16x1024xf32, #tpu.memory_space<vmem>> -> memref<1x16x1024xf32, #tpu.memory_space<vmem>>
    %dma_start3A_505 = tpu.memref_squeeze %dma_start3A_504 : memref<1x16x1024xf32, #tpu.memory_space<vmem>> -> memref<16x1024xf32, #tpu.memory_space<vmem>>
    %dma_start3A_506 = arith.constant 176 : i32
    %dma_start3A_507 = tpu.memref_slice %arg5[%dma_start3A_506] : memref<256xi32, #tpu.memory_space<vmem>> -> memref<16xi32, #tpu.memory_space<vmem>>
    %dma_start3A_508 = arith.constant 0 : i32
    %dma_start3A_509 = arith.constant 0 : i32
    %dma_start3A_510 = tpu.memref_slice %arg3[%dma_start3A_508, %dma_start3A_509] : memref<100000x1024xf32, #tpu.memory_space<hbm>> -> memref<100000x1024xf32, #tpu.memory_space<hbm>>
    %dma_start3A_511 = tpu.memref_slice %arg7[%dma_start3A_501] : memref<6x!tpu.dma_semaphore, #tpu.memory_space<semaphore_mem>> -> memref<1x!tpu.dma_semaphore, #tpu.memory_space<semaphore_mem>>
    %dma_start3A_512 = tpu.memref_squeeze %dma_start3A_511 : memref<1x!tpu.dma_semaphore, #tpu.memory_space<semaphore_mem>> -> memref<!tpu.dma_semaphore, #tpu.memory_space<semaphore_mem>>
    tpu.enqueue_indirect_dma source(%dma_start3A_510 : memref<100000x1024xf32, #tpu.memory_space<hbm>>) target(%dma_start3A_505 : memref<16x1024xf32, #tpu.memory_space<vmem>>) offsets(%dma_start3A_507 : memref<16xi32, #tpu.memory_space<vmem>>) semaphore(%dma_start3A_512 : memref<!tpu.dma_semaphore, #tpu.memory_space<semaphore_mem>>)
    %dma_wait3A_513 = arith.constant 2 : i32
    %dma_wait3A_514 = arith.constant 2 : i32
    %dma_wait3A_515 = arith.constant 0 : i32
    %dma_wait3A_516 = arith.constant 0 : i32
    %dma_wait3A_517 = tpu.memref_slice %arg6[%dma_wait3A_513, %dma_wait3A_515, %dma_wait3A_516] : memref<6x16x1024xf32, #tpu.memory_space<vmem>> -> memref<1x16x1024xf32, #tpu.memory_space<vmem>>
    %dma_wait3A_518 = tpu.memref_squeeze %dma_wait3A_517 : memref<1x16x1024xf32, #tpu.memory_space<vmem>> -> memref<16x1024xf32, #tpu.memory_space<vmem>>
    %dma_wait3A_519 = arith.constant 128 : i32
    %dma_wait3A_520 = tpu.memref_slice %arg5[%dma_wait3A_519] : memref<256xi32, #tpu.memory_space<vmem>> -> memref<16xi32, #tpu.memory_space<vmem>>
    %dma_wait3A_521 = arith.constant 0 : i32
    %dma_wait3A_522 = arith.constant 0 : i32
    %dma_wait3A_523 = tpu.memref_slice %arg3[%dma_wait3A_521, %dma_wait3A_522] : memref<100000x1024xf32, #tpu.memory_space<hbm>> -> memref<100000x1024xf32, #tpu.memory_space<hbm>>
    %dma_wait3A_524 = tpu.memref_slice %arg7[%dma_wait3A_514] : memref<6x!tpu.dma_semaphore, #tpu.memory_space<semaphore_mem>> -> memref<1x!tpu.dma_semaphore, #tpu.memory_space<semaphore_mem>>
    %dma_wait3A_525 = tpu.memref_squeeze %dma_wait3A_524 : memref<1x!tpu.dma_semaphore, #tpu.memory_space<semaphore_mem>> -> memref<!tpu.dma_semaphore, #tpu.memory_space<semaphore_mem>>
    tpu.wait_indirect_dma semaphore(%dma_wait3A_525 : memref<!tpu.dma_semaphore, #tpu.memory_space<semaphore_mem>>) src(%dma_wait3A_523 : memref<100000x1024xf32, #tpu.memory_space<hbm>>) dst(%dma_wait3A_518 : memref<16x1024xf32, #tpu.memory_space<vmem>>)
    %add3A_526 = arith.constant 128 : i32
    %add3A_527 = arith.addi %mul3A_2, %add3A_526 : i32
    %dma_start3A_528 = arith.constant 2 : i32
    %dma_start3A_529 = arith.constant 2 : i32
    %dma_start3A_530 = arith.constant 0 : i32
    %dma_start3A_531 = arith.constant 0 : i32
    %dma_start3A_532 = tpu.memref_slice %arg6[%dma_start3A_528, %dma_start3A_530, %dma_start3A_531] : memref<6x16x1024xf32, #tpu.memory_space<vmem>> -> memref<1x16x1024xf32, #tpu.memory_space<vmem>>
    %dma_start3A_533 = tpu.memref_squeeze %dma_start3A_532 : memref<1x16x1024xf32, #tpu.memory_space<vmem>> -> memref<16x1024xf32, #tpu.memory_space<vmem>>
    %dma_start3A_534 = arith.constant 0 : i32
    %dma_start3A_535 = tpu.memref_slice %arg4[%add3A_527, %dma_start3A_534] : memref<8192x1024xf32, #tpu.memory_space<hbm>> -> memref<16x1024xf32, #tpu.memory_space<hbm>>
    %dma_start3A_536 = tpu.memref_slice %arg8[%dma_start3A_529] : memref<6x!tpu.dma_semaphore, #tpu.memory_space<semaphore_mem>> -> memref<1x!tpu.dma_semaphore, #tpu.memory_space<semaphore_mem>>
    %dma_start3A_537 = tpu.memref_squeeze %dma_start3A_536 : memref<1x!tpu.dma_semaphore, #tpu.memory_space<semaphore_mem>> -> memref<!tpu.dma_semaphore, #tpu.memory_space<semaphore_mem>>
    %dma_start3A_538 = arith.constant 0 : i32
    %dma_start3A_539 = tpu.memref_slice %arg4[%add3A_527, %dma_start3A_538] : memref<8192x1024xf32, #tpu.memory_space<hbm>> -> memref<16x1024xf32, #tpu.memory_space<hbm>>
    %dma_start3A_540 = arith.constant 0 : i32
    %dma_start3A_541 = arith.constant 0 : i32
    %dma_start3A_542 = tpu.memref_slice %arg6[%dma_start3A_528, %dma_start3A_540, %dma_start3A_541] : memref<6x16x1024xf32, #tpu.memory_space<vmem>> -> memref<1x16x1024xf32, #tpu.memory_space<vmem>>
    %dma_start3A_543 = tpu.memref_squeeze %dma_start3A_542 : memref<1x16x1024xf32, #tpu.memory_space<vmem>> -> memref<16x1024xf32, #tpu.memory_space<vmem>>
    tpu.enqueue_dma source(%dma_start3A_543 : memref<16x1024xf32, #tpu.memory_space<vmem>>) target(%dma_start3A_539 : memref<16x1024xf32, #tpu.memory_space<hbm>>) target_semaphore(%dma_start3A_537 : memref<!tpu.dma_semaphore, #tpu.memory_space<semaphore_mem>>)
    %add3A_544 = arith.constant 96 : i32
    %add3A_545 = arith.addi %mul3A_2, %add3A_544 : i32
    %dma_wait3A_546 = arith.constant 0 : i32
    %dma_wait3A_547 = arith.constant 0 : i32
    %dma_wait3A_548 = arith.constant 0 : i32
    %dma_wait3A_549 = arith.constant 0 : i32
    %dma_wait3A_550 = tpu.memref_slice %arg6[%dma_wait3A_546, %dma_wait3A_548, %dma_wait3A_549] : memref<6x16x1024xf32, #tpu.memory_space<vmem>> -> memref<1x16x1024xf32, #tpu.memory_space<vmem>>
    %dma_wait3A_551 = tpu.memref_squeeze %dma_wait3A_550 : memref<1x16x1024xf32, #tpu.memory_space<vmem>> -> memref<16x1024xf32, #tpu.memory_space<vmem>>
    %dma_wait3A_552 = arith.constant 0 : i32
    %dma_wait3A_553 = tpu.memref_slice %arg4[%add3A_545, %dma_wait3A_552] : memref<8192x1024xf32, #tpu.memory_space<hbm>> -> memref<16x1024xf32, #tpu.memory_space<hbm>>
    %dma_wait3A_554 = tpu.memref_slice %arg8[%dma_wait3A_547] : memref<6x!tpu.dma_semaphore, #tpu.memory_space<semaphore_mem>> -> memref<1x!tpu.dma_semaphore, #tpu.memory_space<semaphore_mem>>
    %dma_wait3A_555 = tpu.memref_squeeze %dma_wait3A_554 : memref<1x!tpu.dma_semaphore, #tpu.memory_space<semaphore_mem>> -> memref<!tpu.dma_semaphore, #tpu.memory_space<semaphore_mem>>
    %dma_wait3A_556 = arith.constant 0 : i32
    %dma_wait3A_557 = tpu.memref_slice %arg4[%add3A_545, %dma_wait3A_556] : memref<8192x1024xf32, #tpu.memory_space<hbm>> -> memref<16x1024xf32, #tpu.memory_space<hbm>>
    %dma_wait3A_558 = arith.constant 0 : i32
    %dma_wait3A_559 = arith.constant 0 : i32
    %dma_wait3A_560 = tpu.memref_slice %arg6[%dma_wait3A_546, %dma_wait3A_558, %dma_wait3A_559] : memref<6x16x1024xf32, #tpu.memory_space<vmem>> -> memref<1x16x1024xf32, #tpu.memory_space<vmem>>
    %dma_wait3A_561 = tpu.memref_squeeze %dma_wait3A_560 : memref<1x16x1024xf32, #tpu.memory_space<vmem>> -> memref<16x1024xf32, #tpu.memory_space<vmem>>
    tpu.wait_dma2 semaphore(%dma_wait3A_555 : memref<!tpu.dma_semaphore, #tpu.memory_space<semaphore_mem>>) src(%dma_wait3A_561 : memref<16x1024xf32, #tpu.memory_space<vmem>>) dst(%dma_wait3A_557 : memref<16x1024xf32, #tpu.memory_space<hbm>>)
    %dma_start3A_562 = arith.constant 0 : i32
    %dma_start3A_563 = arith.constant 0 : i32
    %dma_start3A_564 = arith.constant 0 : i32
    %dma_start3A_565 = arith.constant 0 : i32
    %dma_start3A_566 = tpu.memref_slice %arg6[%dma_start3A_562, %dma_start3A_564, %dma_start3A_565] : memref<6x16x1024xf32, #tpu.memory_space<vmem>> -> memref<1x16x1024xf32, #tpu.memory_space<vmem>>
    %dma_start3A_567 = tpu.memref_squeeze %dma_start3A_566 : memref<1x16x1024xf32, #tpu.memory_space<vmem>> -> memref<16x1024xf32, #tpu.memory_space<vmem>>
    %dma_start3A_568 = arith.constant 192 : i32
    %dma_start3A_569 = tpu.memref_slice %arg5[%dma_start3A_568] : memref<256xi32, #tpu.memory_space<vmem>> -> memref<16xi32, #tpu.memory_space<vmem>>
    %dma_start3A_570 = arith.constant 0 : i32
    %dma_start3A_571 = arith.constant 0 : i32
    %dma_start3A_572 = tpu.memref_slice %arg3[%dma_start3A_570, %dma_start3A_571] : memref<100000x1024xf32, #tpu.memory_space<hbm>> -> memref<100000x1024xf32, #tpu.memory_space<hbm>>
    %dma_start3A_573 = tpu.memref_slice %arg7[%dma_start3A_563] : memref<6x!tpu.dma_semaphore, #tpu.memory_space<semaphore_mem>> -> memref<1x!tpu.dma_semaphore, #tpu.memory_space<semaphore_mem>>
    %dma_start3A_574 = tpu.memref_squeeze %dma_start3A_573 : memref<1x!tpu.dma_semaphore, #tpu.memory_space<semaphore_mem>> -> memref<!tpu.dma_semaphore, #tpu.memory_space<semaphore_mem>>
    tpu.enqueue_indirect_dma source(%dma_start3A_572 : memref<100000x1024xf32, #tpu.memory_space<hbm>>) target(%dma_start3A_567 : memref<16x1024xf32, #tpu.memory_space<vmem>>) offsets(%dma_start3A_569 : memref<16xi32, #tpu.memory_space<vmem>>) semaphore(%dma_start3A_574 : memref<!tpu.dma_semaphore, #tpu.memory_space<semaphore_mem>>)
    %dma_wait3A_575 = arith.constant 3 : i32
    %dma_wait3A_576 = arith.constant 3 : i32
    %dma_wait3A_577 = arith.constant 0 : i32
    %dma_wait3A_578 = arith.constant 0 : i32
    %dma_wait3A_579 = tpu.memref_slice %arg6[%dma_wait3A_575, %dma_wait3A_577, %dma_wait3A_578] : memref<6x16x1024xf32, #tpu.memory_space<vmem>> -> memref<1x16x1024xf32, #tpu.memory_space<vmem>>
    %dma_wait3A_580 = tpu.memref_squeeze %dma_wait3A_579 : memref<1x16x1024xf32, #tpu.memory_space<vmem>> -> memref<16x1024xf32, #tpu.memory_space<vmem>>
    %dma_wait3A_581 = arith.constant 144 : i32
    %dma_wait3A_582 = tpu.memref_slice %arg5[%dma_wait3A_581] : memref<256xi32, #tpu.memory_space<vmem>> -> memref<16xi32, #tpu.memory_space<vmem>>
    %dma_wait3A_583 = arith.constant 0 : i32
    %dma_wait3A_584 = arith.constant 0 : i32
    %dma_wait3A_585 = tpu.memref_slice %arg3[%dma_wait3A_583, %dma_wait3A_584] : memref<100000x1024xf32, #tpu.memory_space<hbm>> -> memref<100000x1024xf32, #tpu.memory_space<hbm>>
    %dma_wait3A_586 = tpu.memref_slice %arg7[%dma_wait3A_576] : memref<6x!tpu.dma_semaphore, #tpu.memory_space<semaphore_mem>> -> memref<1x!tpu.dma_semaphore, #tpu.memory_space<semaphore_mem>>
    %dma_wait3A_587 = tpu.memref_squeeze %dma_wait3A_586 : memref<1x!tpu.dma_semaphore, #tpu.memory_space<semaphore_mem>> -> memref<!tpu.dma_semaphore, #tpu.memory_space<semaphore_mem>>
    tpu.wait_indirect_dma semaphore(%dma_wait3A_587 : memref<!tpu.dma_semaphore, #tpu.memory_space<semaphore_mem>>) src(%dma_wait3A_585 : memref<100000x1024xf32, #tpu.memory_space<hbm>>) dst(%dma_wait3A_580 : memref<16x1024xf32, #tpu.memory_space<vmem>>)
    %add3A_588 = arith.constant 144 : i32
    %add3A_589 = arith.addi %mul3A_2, %add3A_588 : i32
    %dma_start3A_590 = arith.constant 3 : i32
    %dma_start3A_591 = arith.constant 3 : i32
    %dma_start3A_592 = arith.constant 0 : i32
    %dma_start3A_593 = arith.constant 0 : i32
    %dma_start3A_594 = tpu.memref_slice %arg6[%dma_start3A_590, %dma_start3A_592, %dma_start3A_593] : memref<6x16x1024xf32, #tpu.memory_space<vmem>> -> memref<1x16x1024xf32, #tpu.memory_space<vmem>>
    %dma_start3A_595 = tpu.memref_squeeze %dma_start3A_594 : memref<1x16x1024xf32, #tpu.memory_space<vmem>> -> memref<16x1024xf32, #tpu.memory_space<vmem>>
    %dma_start3A_596 = arith.constant 0 : i32
    %dma_start3A_597 = tpu.memref_slice %arg4[%add3A_589, %dma_start3A_596] : memref<8192x1024xf32, #tpu.memory_space<hbm>> -> memref<16x1024xf32, #tpu.memory_space<hbm>>
    %dma_start3A_598 = tpu.memref_slice %arg8[%dma_start3A_591] : memref<6x!tpu.dma_semaphore, #tpu.memory_space<semaphore_mem>> -> memref<1x!tpu.dma_semaphore, #tpu.memory_space<semaphore_mem>>
    %dma_start3A_599 = tpu.memref_squeeze %dma_start3A_598 : memref<1x!tpu.dma_semaphore, #tpu.memory_space<semaphore_mem>> -> memref<!tpu.dma_semaphore, #tpu.memory_space<semaphore_mem>>
    %dma_start3A_600 = arith.constant 0 : i32
    %dma_start3A_601 = tpu.memref_slice %arg4[%add3A_589, %dma_start3A_600] : memref<8192x1024xf32, #tpu.memory_space<hbm>> -> memref<16x1024xf32, #tpu.memory_space<hbm>>
    %dma_start3A_602 = arith.constant 0 : i32
    %dma_start3A_603 = arith.constant 0 : i32
    %dma_start3A_604 = tpu.memref_slice %arg6[%dma_start3A_590, %dma_start3A_602, %dma_start3A_603] : memref<6x16x1024xf32, #tpu.memory_space<vmem>> -> memref<1x16x1024xf32, #tpu.memory_space<vmem>>
    %dma_start3A_605 = tpu.memref_squeeze %dma_start3A_604 : memref<1x16x1024xf32, #tpu.memory_space<vmem>> -> memref<16x1024xf32, #tpu.memory_space<vmem>>
    tpu.enqueue_dma source(%dma_start3A_605 : memref<16x1024xf32, #tpu.memory_space<vmem>>) target(%dma_start3A_601 : memref<16x1024xf32, #tpu.memory_space<hbm>>) target_semaphore(%dma_start3A_599 : memref<!tpu.dma_semaphore, #tpu.memory_space<semaphore_mem>>)
    %add3A_606 = arith.constant 112 : i32
    %add3A_607 = arith.addi %mul3A_2, %add3A_606 : i32
    %dma_wait3A_608 = arith.constant 1 : i32
    %dma_wait3A_609 = arith.constant 1 : i32
    %dma_wait3A_610 = arith.constant 0 : i32
    %dma_wait3A_611 = arith.constant 0 : i32
    %dma_wait3A_612 = tpu.memref_slice %arg6[%dma_wait3A_608, %dma_wait3A_610, %dma_wait3A_611] : memref<6x16x1024xf32, #tpu.memory_space<vmem>> -> memref<1x16x1024xf32, #tpu.memory_space<vmem>>
    %dma_wait3A_613 = tpu.memref_squeeze %dma_wait3A_612 : memref<1x16x1024xf32, #tpu.memory_space<vmem>> -> memref<16x1024xf32, #tpu.memory_space<vmem>>
    %dma_wait3A_614 = arith.constant 0 : i32
    %dma_wait3A_615 = tpu.memref_slice %arg4[%add3A_607, %dma_wait3A_614] : memref<8192x1024xf32, #tpu.memory_space<hbm>> -> memref<16x1024xf32, #tpu.memory_space<hbm>>
    %dma_wait3A_616 = tpu.memref_slice %arg8[%dma_wait3A_609] : memref<6x!tpu.dma_semaphore, #tpu.memory_space<semaphore_mem>> -> memref<1x!tpu.dma_semaphore, #tpu.memory_space<semaphore_mem>>
    %dma_wait3A_617 = tpu.memref_squeeze %dma_wait3A_616 : memref<1x!tpu.dma_semaphore, #tpu.memory_space<semaphore_mem>> -> memref<!tpu.dma_semaphore, #tpu.memory_space<semaphore_mem>>
    %dma_wait3A_618 = arith.constant 0 : i32
    %dma_wait3A_619 = tpu.memref_slice %arg4[%add3A_607, %dma_wait3A_618] : memref<8192x1024xf32, #tpu.memory_space<hbm>> -> memref<16x1024xf32, #tpu.memory_space<hbm>>
    %dma_wait3A_620 = arith.constant 0 : i32
    %dma_wait3A_621 = arith.constant 0 : i32
    %dma_wait3A_622 = tpu.memref_slice %arg6[%dma_wait3A_608, %dma_wait3A_620, %dma_wait3A_621] : memref<6x16x1024xf32, #tpu.memory_space<vmem>> -> memref<1x16x1024xf32, #tpu.memory_space<vmem>>
    %dma_wait3A_623 = tpu.memref_squeeze %dma_wait3A_622 : memref<1x16x1024xf32, #tpu.memory_space<vmem>> -> memref<16x1024xf32, #tpu.memory_space<vmem>>
    tpu.wait_dma2 semaphore(%dma_wait3A_617 : memref<!tpu.dma_semaphore, #tpu.memory_space<semaphore_mem>>) src(%dma_wait3A_623 : memref<16x1024xf32, #tpu.memory_space<vmem>>) dst(%dma_wait3A_619 : memref<16x1024xf32, #tpu.memory_space<hbm>>)
    %dma_start3A_624 = arith.constant 1 : i32
    %dma_start3A_625 = arith.constant 1 : i32
    %dma_start3A_626 = arith.constant 0 : i32
    %dma_start3A_627 = arith.constant 0 : i32
    %dma_start3A_628 = tpu.memref_slice %arg6[%dma_start3A_624, %dma_start3A_626, %dma_start3A_627] : memref<6x16x1024xf32, #tpu.memory_space<vmem>> -> memref<1x16x1024xf32, #tpu.memory_space<vmem>>
    %dma_start3A_629 = tpu.memref_squeeze %dma_start3A_628 : memref<1x16x1024xf32, #tpu.memory_space<vmem>> -> memref<16x1024xf32, #tpu.memory_space<vmem>>
    %dma_start3A_630 = arith.constant 208 : i32
    %dma_start3A_631 = tpu.memref_slice %arg5[%dma_start3A_630] : memref<256xi32, #tpu.memory_space<vmem>> -> memref<16xi32, #tpu.memory_space<vmem>>
    %dma_start3A_632 = arith.constant 0 : i32
    %dma_start3A_633 = arith.constant 0 : i32
    %dma_start3A_634 = tpu.memref_slice %arg3[%dma_start3A_632, %dma_start3A_633] : memref<100000x1024xf32, #tpu.memory_space<hbm>> -> memref<100000x1024xf32, #tpu.memory_space<hbm>>
    %dma_start3A_635 = tpu.memref_slice %arg7[%dma_start3A_625] : memref<6x!tpu.dma_semaphore, #tpu.memory_space<semaphore_mem>> -> memref<1x!tpu.dma_semaphore, #tpu.memory_space<semaphore_mem>>
    %dma_start3A_636 = tpu.memref_squeeze %dma_start3A_635 : memref<1x!tpu.dma_semaphore, #tpu.memory_space<semaphore_mem>> -> memref<!tpu.dma_semaphore, #tpu.memory_space<semaphore_mem>>
    tpu.enqueue_indirect_dma source(%dma_start3A_634 : memref<100000x1024xf32, #tpu.memory_space<hbm>>) target(%dma_start3A_629 : memref<16x1024xf32, #tpu.memory_space<vmem>>) offsets(%dma_start3A_631 : memref<16xi32, #tpu.memory_space<vmem>>) semaphore(%dma_start3A_636 : memref<!tpu.dma_semaphore, #tpu.memory_space<semaphore_mem>>)
    %dma_wait3A_637 = arith.constant 4 : i32
    %dma_wait3A_638 = arith.constant 4 : i32
    %dma_wait3A_639 = arith.constant 0 : i32
    %dma_wait3A_640 = arith.constant 0 : i32
    %dma_wait3A_641 = tpu.memref_slice %arg6[%dma_wait3A_637, %dma_wait3A_639, %dma_wait3A_640] : memref<6x16x1024xf32, #tpu.memory_space<vmem>> -> memref<1x16x1024xf32, #tpu.memory_space<vmem>>
    %dma_wait3A_642 = tpu.memref_squeeze %dma_wait3A_641 : memref<1x16x1024xf32, #tpu.memory_space<vmem>> -> memref<16x1024xf32, #tpu.memory_space<vmem>>
    %dma_wait3A_643 = arith.constant 160 : i32
    %dma_wait3A_644 = tpu.memref_slice %arg5[%dma_wait3A_643] : memref<256xi32, #tpu.memory_space<vmem>> -> memref<16xi32, #tpu.memory_space<vmem>>
    %dma_wait3A_645 = arith.constant 0 : i32
    %dma_wait3A_646 = arith.constant 0 : i32
    %dma_wait3A_647 = tpu.memref_slice %arg3[%dma_wait3A_645, %dma_wait3A_646] : memref<100000x1024xf32, #tpu.memory_space<hbm>> -> memref<100000x1024xf32, #tpu.memory_space<hbm>>
    %dma_wait3A_648 = tpu.memref_slice %arg7[%dma_wait3A_638] : memref<6x!tpu.dma_semaphore, #tpu.memory_space<semaphore_mem>> -> memref<1x!tpu.dma_semaphore, #tpu.memory_space<semaphore_mem>>
    %dma_wait3A_649 = tpu.memref_squeeze %dma_wait3A_648 : memref<1x!tpu.dma_semaphore, #tpu.memory_space<semaphore_mem>> -> memref<!tpu.dma_semaphore, #tpu.memory_space<semaphore_mem>>
    tpu.wait_indirect_dma semaphore(%dma_wait3A_649 : memref<!tpu.dma_semaphore, #tpu.memory_space<semaphore_mem>>) src(%dma_wait3A_647 : memref<100000x1024xf32, #tpu.memory_space<hbm>>) dst(%dma_wait3A_642 : memref<16x1024xf32, #tpu.memory_space<vmem>>)
    %add3A_650 = arith.constant 160 : i32
    %add3A_651 = arith.addi %mul3A_2, %add3A_650 : i32
    %dma_start3A_652 = arith.constant 4 : i32
    %dma_start3A_653 = arith.constant 4 : i32
    %dma_start3A_654 = arith.constant 0 : i32
    %dma_start3A_655 = arith.constant 0 : i32
    %dma_start3A_656 = tpu.memref_slice %arg6[%dma_start3A_652, %dma_start3A_654, %dma_start3A_655] : memref<6x16x1024xf32, #tpu.memory_space<vmem>> -> memref<1x16x1024xf32, #tpu.memory_space<vmem>>
    %dma_start3A_657 = tpu.memref_squeeze %dma_start3A_656 : memref<1x16x1024xf32, #tpu.memory_space<vmem>> -> memref<16x1024xf32, #tpu.memory_space<vmem>>
    %dma_start3A_658 = arith.constant 0 : i32
    %dma_start3A_659 = tpu.memref_slice %arg4[%add3A_651, %dma_start3A_658] : memref<8192x1024xf32, #tpu.memory_space<hbm>> -> memref<16x1024xf32, #tpu.memory_space<hbm>>
    %dma_start3A_660 = tpu.memref_slice %arg8[%dma_start3A_653] : memref<6x!tpu.dma_semaphore, #tpu.memory_space<semaphore_mem>> -> memref<1x!tpu.dma_semaphore, #tpu.memory_space<semaphore_mem>>
    %dma_start3A_661 = tpu.memref_squeeze %dma_start3A_660 : memref<1x!tpu.dma_semaphore, #tpu.memory_space<semaphore_mem>> -> memref<!tpu.dma_semaphore, #tpu.memory_space<semaphore_mem>>
    %dma_start3A_662 = arith.constant 0 : i32
    %dma_start3A_663 = tpu.memref_slice %arg4[%add3A_651, %dma_start3A_662] : memref<8192x1024xf32, #tpu.memory_space<hbm>> -> memref<16x1024xf32, #tpu.memory_space<hbm>>
    %dma_start3A_664 = arith.constant 0 : i32
    %dma_start3A_665 = arith.constant 0 : i32
    %dma_start3A_666 = tpu.memref_slice %arg6[%dma_start3A_652, %dma_start3A_664, %dma_start3A_665] : memref<6x16x1024xf32, #tpu.memory_space<vmem>> -> memref<1x16x1024xf32, #tpu.memory_space<vmem>>
    %dma_start3A_667 = tpu.memref_squeeze %dma_start3A_666 : memref<1x16x1024xf32, #tpu.memory_space<vmem>> -> memref<16x1024xf32, #tpu.memory_space<vmem>>
    tpu.enqueue_dma source(%dma_start3A_667 : memref<16x1024xf32, #tpu.memory_space<vmem>>) target(%dma_start3A_663 : memref<16x1024xf32, #tpu.memory_space<hbm>>) target_semaphore(%dma_start3A_661 : memref<!tpu.dma_semaphore, #tpu.memory_space<semaphore_mem>>)
    %add3A_668 = arith.constant 128 : i32
    %add3A_669 = arith.addi %mul3A_2, %add3A_668 : i32
    %dma_wait3A_670 = arith.constant 2 : i32
    %dma_wait3A_671 = arith.constant 2 : i32
    %dma_wait3A_672 = arith.constant 0 : i32
    %dma_wait3A_673 = arith.constant 0 : i32
    %dma_wait3A_674 = tpu.memref_slice %arg6[%dma_wait3A_670, %dma_wait3A_672, %dma_wait3A_673] : memref<6x16x1024xf32, #tpu.memory_space<vmem>> -> memref<1x16x1024xf32, #tpu.memory_space<vmem>>
    %dma_wait3A_675 = tpu.memref_squeeze %dma_wait3A_674 : memref<1x16x1024xf32, #tpu.memory_space<vmem>> -> memref<16x1024xf32, #tpu.memory_space<vmem>>
    %dma_wait3A_676 = arith.constant 0 : i32
    %dma_wait3A_677 = tpu.memref_slice %arg4[%add3A_669, %dma_wait3A_676] : memref<8192x1024xf32, #tpu.memory_space<hbm>> -> memref<16x1024xf32, #tpu.memory_space<hbm>>
    %dma_wait3A_678 = tpu.memref_slice %arg8[%dma_wait3A_671] : memref<6x!tpu.dma_semaphore, #tpu.memory_space<semaphore_mem>> -> memref<1x!tpu.dma_semaphore, #tpu.memory_space<semaphore_mem>>
    %dma_wait3A_679 = tpu.memref_squeeze %dma_wait3A_678 : memref<1x!tpu.dma_semaphore, #tpu.memory_space<semaphore_mem>> -> memref<!tpu.dma_semaphore, #tpu.memory_space<semaphore_mem>>
    %dma_wait3A_680 = arith.constant 0 : i32
    %dma_wait3A_681 = tpu.memref_slice %arg4[%add3A_669, %dma_wait3A_680] : memref<8192x1024xf32, #tpu.memory_space<hbm>> -> memref<16x1024xf32, #tpu.memory_space<hbm>>
    %dma_wait3A_682 = arith.constant 0 : i32
    %dma_wait3A_683 = arith.constant 0 : i32
    %dma_wait3A_684 = tpu.memref_slice %arg6[%dma_wait3A_670, %dma_wait3A_682, %dma_wait3A_683] : memref<6x16x1024xf32, #tpu.memory_space<vmem>> -> memref<1x16x1024xf32, #tpu.memory_space<vmem>>
    %dma_wait3A_685 = tpu.memref_squeeze %dma_wait3A_684 : memref<1x16x1024xf32, #tpu.memory_space<vmem>> -> memref<16x1024xf32, #tpu.memory_space<vmem>>
    tpu.wait_dma2 semaphore(%dma_wait3A_679 : memref<!tpu.dma_semaphore, #tpu.memory_space<semaphore_mem>>) src(%dma_wait3A_685 : memref<16x1024xf32, #tpu.memory_space<vmem>>) dst(%dma_wait3A_681 : memref<16x1024xf32, #tpu.memory_space<hbm>>)
    %dma_start3A_686 = arith.constant 2 : i32
    %dma_start3A_687 = arith.constant 2 : i32
    %dma_start3A_688 = arith.constant 0 : i32
    %dma_start3A_689 = arith.constant 0 : i32
    %dma_start3A_690 = tpu.memref_slice %arg6[%dma_start3A_686, %dma_start3A_688, %dma_start3A_689] : memref<6x16x1024xf32, #tpu.memory_space<vmem>> -> memref<1x16x1024xf32, #tpu.memory_space<vmem>>
    %dma_start3A_691 = tpu.memref_squeeze %dma_start3A_690 : memref<1x16x1024xf32, #tpu.memory_space<vmem>> -> memref<16x1024xf32, #tpu.memory_space<vmem>>
    %dma_start3A_692 = arith.constant 224 : i32
    %dma_start3A_693 = tpu.memref_slice %arg5[%dma_start3A_692] : memref<256xi32, #tpu.memory_space<vmem>> -> memref<16xi32, #tpu.memory_space<vmem>>
    %dma_start3A_694 = arith.constant 0 : i32
    %dma_start3A_695 = arith.constant 0 : i32
    %dma_start3A_696 = tpu.memref_slice %arg3[%dma_start3A_694, %dma_start3A_695] : memref<100000x1024xf32, #tpu.memory_space<hbm>> -> memref<100000x1024xf32, #tpu.memory_space<hbm>>
    %dma_start3A_697 = tpu.memref_slice %arg7[%dma_start3A_687] : memref<6x!tpu.dma_semaphore, #tpu.memory_space<semaphore_mem>> -> memref<1x!tpu.dma_semaphore, #tpu.memory_space<semaphore_mem>>
    %dma_start3A_698 = tpu.memref_squeeze %dma_start3A_697 : memref<1x!tpu.dma_semaphore, #tpu.memory_space<semaphore_mem>> -> memref<!tpu.dma_semaphore, #tpu.memory_space<semaphore_mem>>
    tpu.enqueue_indirect_dma source(%dma_start3A_696 : memref<100000x1024xf32, #tpu.memory_space<hbm>>) target(%dma_start3A_691 : memref<16x1024xf32, #tpu.memory_space<vmem>>) offsets(%dma_start3A_693 : memref<16xi32, #tpu.memory_space<vmem>>) semaphore(%dma_start3A_698 : memref<!tpu.dma_semaphore, #tpu.memory_space<semaphore_mem>>)
    %dma_wait3A_699 = arith.constant 5 : i32
    %dma_wait3A_700 = arith.constant 5 : i32
    %dma_wait3A_701 = arith.constant 0 : i32
    %dma_wait3A_702 = arith.constant 0 : i32
    %dma_wait3A_703 = tpu.memref_slice %arg6[%dma_wait3A_699, %dma_wait3A_701, %dma_wait3A_702] : memref<6x16x1024xf32, #tpu.memory_space<vmem>> -> memref<1x16x1024xf32, #tpu.memory_space<vmem>>
    %dma_wait3A_704 = tpu.memref_squeeze %dma_wait3A_703 : memref<1x16x1024xf32, #tpu.memory_space<vmem>> -> memref<16x1024xf32, #tpu.memory_space<vmem>>
    %dma_wait3A_705 = arith.constant 176 : i32
    %dma_wait3A_706 = tpu.memref_slice %arg5[%dma_wait3A_705] : memref<256xi32, #tpu.memory_space<vmem>> -> memref<16xi32, #tpu.memory_space<vmem>>
    %dma_wait3A_707 = arith.constant 0 : i32
    %dma_wait3A_708 = arith.constant 0 : i32
    %dma_wait3A_709 = tpu.memref_slice %arg3[%dma_wait3A_707, %dma_wait3A_708] : memref<100000x1024xf32, #tpu.memory_space<hbm>> -> memref<100000x1024xf32, #tpu.memory_space<hbm>>
    %dma_wait3A_710 = tpu.memref_slice %arg7[%dma_wait3A_700] : memref<6x!tpu.dma_semaphore, #tpu.memory_space<semaphore_mem>> -> memref<1x!tpu.dma_semaphore, #tpu.memory_space<semaphore_mem>>
    %dma_wait3A_711 = tpu.memref_squeeze %dma_wait3A_710 : memref<1x!tpu.dma_semaphore, #tpu.memory_space<semaphore_mem>> -> memref<!tpu.dma_semaphore, #tpu.memory_space<semaphore_mem>>
    tpu.wait_indirect_dma semaphore(%dma_wait3A_711 : memref<!tpu.dma_semaphore, #tpu.memory_space<semaphore_mem>>) src(%dma_wait3A_709 : memref<100000x1024xf32, #tpu.memory_space<hbm>>) dst(%dma_wait3A_704 : memref<16x1024xf32, #tpu.memory_space<vmem>>)
    %add3A_712 = arith.constant 176 : i32
    %add3A_713 = arith.addi %mul3A_2, %add3A_712 : i32
    %dma_start3A_714 = arith.constant 5 : i32
    %dma_start3A_715 = arith.constant 5 : i32
    %dma_start3A_716 = arith.constant 0 : i32
    %dma_start3A_717 = arith.constant 0 : i32
    %dma_start3A_718 = tpu.memref_slice %arg6[%dma_start3A_714, %dma_start3A_716, %dma_start3A_717] : memref<6x16x1024xf32, #tpu.memory_space<vmem>> -> memref<1x16x1024xf32, #tpu.memory_space<vmem>>
    %dma_start3A_719 = tpu.memref_squeeze %dma_start3A_718 : memref<1x16x1024xf32, #tpu.memory_space<vmem>> -> memref<16x1024xf32, #tpu.memory_space<vmem>>
    %dma_start3A_720 = arith.constant 0 : i32
    %dma_start3A_721 = tpu.memref_slice %arg4[%add3A_713, %dma_start3A_720] : memref<8192x1024xf32, #tpu.memory_space<hbm>> -> memref<16x1024xf32, #tpu.memory_space<hbm>>
    %dma_start3A_722 = tpu.memref_slice %arg8[%dma_start3A_715] : memref<6x!tpu.dma_semaphore, #tpu.memory_space<semaphore_mem>> -> memref<1x!tpu.dma_semaphore, #tpu.memory_space<semaphore_mem>>
    %dma_start3A_723 = tpu.memref_squeeze %dma_start3A_722 : memref<1x!tpu.dma_semaphore, #tpu.memory_space<semaphore_mem>> -> memref<!tpu.dma_semaphore, #tpu.memory_space<semaphore_mem>>
    %dma_start3A_724 = arith.constant 0 : i32
    %dma_start3A_725 = tpu.memref_slice %arg4[%add3A_713, %dma_start3A_724] : memref<8192x1024xf32, #tpu.memory_space<hbm>> -> memref<16x1024xf32, #tpu.memory_space<hbm>>
    %dma_start3A_726 = arith.constant 0 : i32
    %dma_start3A_727 = arith.constant 0 : i32
    %dma_start3A_728 = tpu.memref_slice %arg6[%dma_start3A_714, %dma_start3A_726, %dma_start3A_727] : memref<6x16x1024xf32, #tpu.memory_space<vmem>> -> memref<1x16x1024xf32, #tpu.memory_space<vmem>>
    %dma_start3A_729 = tpu.memref_squeeze %dma_start3A_728 : memref<1x16x1024xf32, #tpu.memory_space<vmem>> -> memref<16x1024xf32, #tpu.memory_space<vmem>>
    tpu.enqueue_dma source(%dma_start3A_729 : memref<16x1024xf32, #tpu.memory_space<vmem>>) target(%dma_start3A_725 : memref<16x1024xf32, #tpu.memory_space<hbm>>) target_semaphore(%dma_start3A_723 : memref<!tpu.dma_semaphore, #tpu.memory_space<semaphore_mem>>)
    %add3A_730 = arith.constant 144 : i32
    %add3A_731 = arith.addi %mul3A_2, %add3A_730 : i32
    %dma_wait3A_732 = arith.constant 3 : i32
    %dma_wait3A_733 = arith.constant 3 : i32
    %dma_wait3A_734 = arith.constant 0 : i32
    %dma_wait3A_735 = arith.constant 0 : i32
    %dma_wait3A_736 = tpu.memref_slice %arg6[%dma_wait3A_732, %dma_wait3A_734, %dma_wait3A_735] : memref<6x16x1024xf32, #tpu.memory_space<vmem>> -> memref<1x16x1024xf32, #tpu.memory_space<vmem>>
    %dma_wait3A_737 = tpu.memref_squeeze %dma_wait3A_736 : memref<1x16x1024xf32, #tpu.memory_space<vmem>> -> memref<16x1024xf32, #tpu.memory_space<vmem>>
    %dma_wait3A_738 = arith.constant 0 : i32
    %dma_wait3A_739 = tpu.memref_slice %arg4[%add3A_731, %dma_wait3A_738] : memref<8192x1024xf32, #tpu.memory_space<hbm>> -> memref<16x1024xf32, #tpu.memory_space<hbm>>
    %dma_wait3A_740 = tpu.memref_slice %arg8[%dma_wait3A_733] : memref<6x!tpu.dma_semaphore, #tpu.memory_space<semaphore_mem>> -> memref<1x!tpu.dma_semaphore, #tpu.memory_space<semaphore_mem>>
    %dma_wait3A_741 = tpu.memref_squeeze %dma_wait3A_740 : memref<1x!tpu.dma_semaphore, #tpu.memory_space<semaphore_mem>> -> memref<!tpu.dma_semaphore, #tpu.memory_space<semaphore_mem>>
    %dma_wait3A_742 = arith.constant 0 : i32
    %dma_wait3A_743 = tpu.memref_slice %arg4[%add3A_731, %dma_wait3A_742] : memref<8192x1024xf32, #tpu.memory_space<hbm>> -> memref<16x1024xf32, #tpu.memory_space<hbm>>
    %dma_wait3A_744 = arith.constant 0 : i32
    %dma_wait3A_745 = arith.constant 0 : i32
    %dma_wait3A_746 = tpu.memref_slice %arg6[%dma_wait3A_732, %dma_wait3A_744, %dma_wait3A_745] : memref<6x16x1024xf32, #tpu.memory_space<vmem>> -> memref<1x16x1024xf32, #tpu.memory_space<vmem>>
    %dma_wait3A_747 = tpu.memref_squeeze %dma_wait3A_746 : memref<1x16x1024xf32, #tpu.memory_space<vmem>> -> memref<16x1024xf32, #tpu.memory_space<vmem>>
    tpu.wait_dma2 semaphore(%dma_wait3A_741 : memref<!tpu.dma_semaphore, #tpu.memory_space<semaphore_mem>>) src(%dma_wait3A_747 : memref<16x1024xf32, #tpu.memory_space<vmem>>) dst(%dma_wait3A_743 : memref<16x1024xf32, #tpu.memory_space<hbm>>)
    %dma_start3A_748 = arith.constant 3 : i32
    %dma_start3A_749 = arith.constant 3 : i32
    %dma_start3A_750 = arith.constant 0 : i32
    %dma_start3A_751 = arith.constant 0 : i32
    %dma_start3A_752 = tpu.memref_slice %arg6[%dma_start3A_748, %dma_start3A_750, %dma_start3A_751] : memref<6x16x1024xf32, #tpu.memory_space<vmem>> -> memref<1x16x1024xf32, #tpu.memory_space<vmem>>
    %dma_start3A_753 = tpu.memref_squeeze %dma_start3A_752 : memref<1x16x1024xf32, #tpu.memory_space<vmem>> -> memref<16x1024xf32, #tpu.memory_space<vmem>>
    %dma_start3A_754 = arith.constant 240 : i32
    %dma_start3A_755 = tpu.memref_slice %arg5[%dma_start3A_754] : memref<256xi32, #tpu.memory_space<vmem>> -> memref<16xi32, #tpu.memory_space<vmem>>
    %dma_start3A_756 = arith.constant 0 : i32
    %dma_start3A_757 = arith.constant 0 : i32
    %dma_start3A_758 = tpu.memref_slice %arg3[%dma_start3A_756, %dma_start3A_757] : memref<100000x1024xf32, #tpu.memory_space<hbm>> -> memref<100000x1024xf32, #tpu.memory_space<hbm>>
    %dma_start3A_759 = tpu.memref_slice %arg7[%dma_start3A_749] : memref<6x!tpu.dma_semaphore, #tpu.memory_space<semaphore_mem>> -> memref<1x!tpu.dma_semaphore, #tpu.memory_space<semaphore_mem>>
    %dma_start3A_760 = tpu.memref_squeeze %dma_start3A_759 : memref<1x!tpu.dma_semaphore, #tpu.memory_space<semaphore_mem>> -> memref<!tpu.dma_semaphore, #tpu.memory_space<semaphore_mem>>
    tpu.enqueue_indirect_dma source(%dma_start3A_758 : memref<100000x1024xf32, #tpu.memory_space<hbm>>) target(%dma_start3A_753 : memref<16x1024xf32, #tpu.memory_space<vmem>>) offsets(%dma_start3A_755 : memref<16xi32, #tpu.memory_space<vmem>>) semaphore(%dma_start3A_760 : memref<!tpu.dma_semaphore, #tpu.memory_space<semaphore_mem>>)
    %dma_wait3A_761 = arith.constant 0 : i32
    %dma_wait3A_762 = arith.constant 0 : i32
    %dma_wait3A_763 = arith.constant 0 : i32
    %dma_wait3A_764 = arith.constant 0 : i32
    %dma_wait3A_765 = tpu.memref_slice %arg6[%dma_wait3A_761, %dma_wait3A_763, %dma_wait3A_764] : memref<6x16x1024xf32, #tpu.memory_space<vmem>> -> memref<1x16x1024xf32, #tpu.memory_space<vmem>>
    %dma_wait3A_766 = tpu.memref_squeeze %dma_wait3A_765 : memref<1x16x1024xf32, #tpu.memory_space<vmem>> -> memref<16x1024xf32, #tpu.memory_space<vmem>>
    %dma_wait3A_767 = arith.constant 192 : i32
    %dma_wait3A_768 = tpu.memref_slice %arg5[%dma_wait3A_767] : memref<256xi32, #tpu.memory_space<vmem>> -> memref<16xi32, #tpu.memory_space<vmem>>
    %dma_wait3A_769 = arith.constant 0 : i32
    %dma_wait3A_770 = arith.constant 0 : i32
    %dma_wait3A_771 = tpu.memref_slice %arg3[%dma_wait3A_769, %dma_wait3A_770] : memref<100000x1024xf32, #tpu.memory_space<hbm>> -> memref<100000x1024xf32, #tpu.memory_space<hbm>>
    %dma_wait3A_772 = tpu.memref_slice %arg7[%dma_wait3A_762] : memref<6x!tpu.dma_semaphore, #tpu.memory_space<semaphore_mem>> -> memref<1x!tpu.dma_semaphore, #tpu.memory_space<semaphore_mem>>
    %dma_wait3A_773 = tpu.memref_squeeze %dma_wait3A_772 : memref<1x!tpu.dma_semaphore, #tpu.memory_space<semaphore_mem>> -> memref<!tpu.dma_semaphore, #tpu.memory_space<semaphore_mem>>
    tpu.wait_indirect_dma semaphore(%dma_wait3A_773 : memref<!tpu.dma_semaphore, #tpu.memory_space<semaphore_mem>>) src(%dma_wait3A_771 : memref<100000x1024xf32, #tpu.memory_space<hbm>>) dst(%dma_wait3A_766 : memref<16x1024xf32, #tpu.memory_space<vmem>>)
    %add3A_774 = arith.constant 192 : i32
    %add3A_775 = arith.addi %mul3A_2, %add3A_774 : i32
    %dma_start3A_776 = arith.constant 0 : i32
    %dma_start3A_777 = arith.constant 0 : i32
    %dma_start3A_778 = arith.constant 0 : i32
    %dma_start3A_779 = arith.constant 0 : i32
    %dma_start3A_780 = tpu.memref_slice %arg6[%dma_start3A_776, %dma_start3A_778, %dma_start3A_779] : memref<6x16x1024xf32, #tpu.memory_space<vmem>> -> memref<1x16x1024xf32, #tpu.memory_space<vmem>>
    %dma_start3A_781 = tpu.memref_squeeze %dma_start3A_780 : memref<1x16x1024xf32, #tpu.memory_space<vmem>> -> memref<16x1024xf32, #tpu.memory_space<vmem>>
    %dma_start3A_782 = arith.constant 0 : i32
    %dma_start3A_783 = tpu.memref_slice %arg4[%add3A_775, %dma_start3A_782] : memref<8192x1024xf32, #tpu.memory_space<hbm>> -> memref<16x1024xf32, #tpu.memory_space<hbm>>
    %dma_start3A_784 = tpu.memref_slice %arg8[%dma_start3A_777] : memref<6x!tpu.dma_semaphore, #tpu.memory_space<semaphore_mem>> -> memref<1x!tpu.dma_semaphore, #tpu.memory_space<semaphore_mem>>
    %dma_start3A_785 = tpu.memref_squeeze %dma_start3A_784 : memref<1x!tpu.dma_semaphore, #tpu.memory_space<semaphore_mem>> -> memref<!tpu.dma_semaphore, #tpu.memory_space<semaphore_mem>>
    %dma_start3A_786 = arith.constant 0 : i32
    %dma_start3A_787 = tpu.memref_slice %arg4[%add3A_775, %dma_start3A_786] : memref<8192x1024xf32, #tpu.memory_space<hbm>> -> memref<16x1024xf32, #tpu.memory_space<hbm>>
    %dma_start3A_788 = arith.constant 0 : i32
    %dma_start3A_789 = arith.constant 0 : i32
    %dma_start3A_790 = tpu.memref_slice %arg6[%dma_start3A_776, %dma_start3A_788, %dma_start3A_789] : memref<6x16x1024xf32, #tpu.memory_space<vmem>> -> memref<1x16x1024xf32, #tpu.memory_space<vmem>>
    %dma_start3A_791 = tpu.memref_squeeze %dma_start3A_790 : memref<1x16x1024xf32, #tpu.memory_space<vmem>> -> memref<16x1024xf32, #tpu.memory_space<vmem>>
    tpu.enqueue_dma source(%dma_start3A_791 : memref<16x1024xf32, #tpu.memory_space<vmem>>) target(%dma_start3A_787 : memref<16x1024xf32, #tpu.memory_space<hbm>>) target_semaphore(%dma_start3A_785 : memref<!tpu.dma_semaphore, #tpu.memory_space<semaphore_mem>>)
    %dma_wait3A_792 = arith.constant 1 : i32
    %dma_wait3A_793 = arith.constant 1 : i32
    %dma_wait3A_794 = arith.constant 0 : i32
    %dma_wait3A_795 = arith.constant 0 : i32
    %dma_wait3A_796 = tpu.memref_slice %arg6[%dma_wait3A_792, %dma_wait3A_794, %dma_wait3A_795] : memref<6x16x1024xf32, #tpu.memory_space<vmem>> -> memref<1x16x1024xf32, #tpu.memory_space<vmem>>
    %dma_wait3A_797 = tpu.memref_squeeze %dma_wait3A_796 : memref<1x16x1024xf32, #tpu.memory_space<vmem>> -> memref<16x1024xf32, #tpu.memory_space<vmem>>
    %dma_wait3A_798 = arith.constant 208 : i32
    %dma_wait3A_799 = tpu.memref_slice %arg5[%dma_wait3A_798] : memref<256xi32, #tpu.memory_space<vmem>> -> memref<16xi32, #tpu.memory_space<vmem>>
    %dma_wait3A_800 = arith.constant 0 : i32
    %dma_wait3A_801 = arith.constant 0 : i32
    %dma_wait3A_802 = tpu.memref_slice %arg3[%dma_wait3A_800, %dma_wait3A_801] : memref<100000x1024xf32, #tpu.memory_space<hbm>> -> memref<100000x1024xf32, #tpu.memory_space<hbm>>
    %dma_wait3A_803 = tpu.memref_slice %arg7[%dma_wait3A_793] : memref<6x!tpu.dma_semaphore, #tpu.memory_space<semaphore_mem>> -> memref<1x!tpu.dma_semaphore, #tpu.memory_space<semaphore_mem>>
    %dma_wait3A_804 = tpu.memref_squeeze %dma_wait3A_803 : memref<1x!tpu.dma_semaphore, #tpu.memory_space<semaphore_mem>> -> memref<!tpu.dma_semaphore, #tpu.memory_space<semaphore_mem>>
    tpu.wait_indirect_dma semaphore(%dma_wait3A_804 : memref<!tpu.dma_semaphore, #tpu.memory_space<semaphore_mem>>) src(%dma_wait3A_802 : memref<100000x1024xf32, #tpu.memory_space<hbm>>) dst(%dma_wait3A_797 : memref<16x1024xf32, #tpu.memory_space<vmem>>)
    %add3A_805 = arith.constant 208 : i32
    %add3A_806 = arith.addi %mul3A_2, %add3A_805 : i32
    %dma_start3A_807 = arith.constant 1 : i32
    %dma_start3A_808 = arith.constant 1 : i32
    %dma_start3A_809 = arith.constant 0 : i32
    %dma_start3A_810 = arith.constant 0 : i32
    %dma_start3A_811 = tpu.memref_slice %arg6[%dma_start3A_807, %dma_start3A_809, %dma_start3A_810] : memref<6x16x1024xf32, #tpu.memory_space<vmem>> -> memref<1x16x1024xf32, #tpu.memory_space<vmem>>
    %dma_start3A_812 = tpu.memref_squeeze %dma_start3A_811 : memref<1x16x1024xf32, #tpu.memory_space<vmem>> -> memref<16x1024xf32, #tpu.memory_space<vmem>>
    %dma_start3A_813 = arith.constant 0 : i32
    %dma_start3A_814 = tpu.memref_slice %arg4[%add3A_806, %dma_start3A_813] : memref<8192x1024xf32, #tpu.memory_space<hbm>> -> memref<16x1024xf32, #tpu.memory_space<hbm>>
    %dma_start3A_815 = tpu.memref_slice %arg8[%dma_start3A_808] : memref<6x!tpu.dma_semaphore, #tpu.memory_space<semaphore_mem>> -> memref<1x!tpu.dma_semaphore, #tpu.memory_space<semaphore_mem>>
    %dma_start3A_816 = tpu.memref_squeeze %dma_start3A_815 : memref<1x!tpu.dma_semaphore, #tpu.memory_space<semaphore_mem>> -> memref<!tpu.dma_semaphore, #tpu.memory_space<semaphore_mem>>
    %dma_start3A_817 = arith.constant 0 : i32
    %dma_start3A_818 = tpu.memref_slice %arg4[%add3A_806, %dma_start3A_817] : memref<8192x1024xf32, #tpu.memory_space<hbm>> -> memref<16x1024xf32, #tpu.memory_space<hbm>>
    %dma_start3A_819 = arith.constant 0 : i32
    %dma_start3A_820 = arith.constant 0 : i32
    %dma_start3A_821 = tpu.memref_slice %arg6[%dma_start3A_807, %dma_start3A_819, %dma_start3A_820] : memref<6x16x1024xf32, #tpu.memory_space<vmem>> -> memref<1x16x1024xf32, #tpu.memory_space<vmem>>
    %dma_start3A_822 = tpu.memref_squeeze %dma_start3A_821 : memref<1x16x1024xf32, #tpu.memory_space<vmem>> -> memref<16x1024xf32, #tpu.memory_space<vmem>>
    tpu.enqueue_dma source(%dma_start3A_822 : memref<16x1024xf32, #tpu.memory_space<vmem>>) target(%dma_start3A_818 : memref<16x1024xf32, #tpu.memory_space<hbm>>) target_semaphore(%dma_start3A_816 : memref<!tpu.dma_semaphore, #tpu.memory_space<semaphore_mem>>)
    %dma_wait3A_823 = arith.constant 2 : i32
    %dma_wait3A_824 = arith.constant 2 : i32
    %dma_wait3A_825 = arith.constant 0 : i32
    %dma_wait3A_826 = arith.constant 0 : i32
    %dma_wait3A_827 = tpu.memref_slice %arg6[%dma_wait3A_823, %dma_wait3A_825, %dma_wait3A_826] : memref<6x16x1024xf32, #tpu.memory_space<vmem>> -> memref<1x16x1024xf32, #tpu.memory_space<vmem>>
    %dma_wait3A_828 = tpu.memref_squeeze %dma_wait3A_827 : memref<1x16x1024xf32, #tpu.memory_space<vmem>> -> memref<16x1024xf32, #tpu.memory_space<vmem>>
    %dma_wait3A_829 = arith.constant 224 : i32
    %dma_wait3A_830 = tpu.memref_slice %arg5[%dma_wait3A_829] : memref<256xi32, #tpu.memory_space<vmem>> -> memref<16xi32, #tpu.memory_space<vmem>>
    %dma_wait3A_831 = arith.constant 0 : i32
    %dma_wait3A_832 = arith.constant 0 : i32
    %dma_wait3A_833 = tpu.memref_slice %arg3[%dma_wait3A_831, %dma_wait3A_832] : memref<100000x1024xf32, #tpu.memory_space<hbm>> -> memref<100000x1024xf32, #tpu.memory_space<hbm>>
    %dma_wait3A_834 = tpu.memref_slice %arg7[%dma_wait3A_824] : memref<6x!tpu.dma_semaphore, #tpu.memory_space<semaphore_mem>> -> memref<1x!tpu.dma_semaphore, #tpu.memory_space<semaphore_mem>>
    %dma_wait3A_835 = tpu.memref_squeeze %dma_wait3A_834 : memref<1x!tpu.dma_semaphore, #tpu.memory_space<semaphore_mem>> -> memref<!tpu.dma_semaphore, #tpu.memory_space<semaphore_mem>>
    tpu.wait_indirect_dma semaphore(%dma_wait3A_835 : memref<!tpu.dma_semaphore, #tpu.memory_space<semaphore_mem>>) src(%dma_wait3A_833 : memref<100000x1024xf32, #tpu.memory_space<hbm>>) dst(%dma_wait3A_828 : memref<16x1024xf32, #tpu.memory_space<vmem>>)
    %add3A_836 = arith.constant 224 : i32
    %add3A_837 = arith.addi %mul3A_2, %add3A_836 : i32
    %dma_start3A_838 = arith.constant 2 : i32
    %dma_start3A_839 = arith.constant 2 : i32
    %dma_start3A_840 = arith.constant 0 : i32
    %dma_start3A_841 = arith.constant 0 : i32
    %dma_start3A_842 = tpu.memref_slice %arg6[%dma_start3A_838, %dma_start3A_840, %dma_start3A_841] : memref<6x16x1024xf32, #tpu.memory_space<vmem>> -> memref<1x16x1024xf32, #tpu.memory_space<vmem>>
    %dma_start3A_843 = tpu.memref_squeeze %dma_start3A_842 : memref<1x16x1024xf32, #tpu.memory_space<vmem>> -> memref<16x1024xf32, #tpu.memory_space<vmem>>
    %dma_start3A_844 = arith.constant 0 : i32
    %dma_start3A_845 = tpu.memref_slice %arg4[%add3A_837, %dma_start3A_844] : memref<8192x1024xf32, #tpu.memory_space<hbm>> -> memref<16x1024xf32, #tpu.memory_space<hbm>>
    %dma_start3A_846 = tpu.memref_slice %arg8[%dma_start3A_839] : memref<6x!tpu.dma_semaphore, #tpu.memory_space<semaphore_mem>> -> memref<1x!tpu.dma_semaphore, #tpu.memory_space<semaphore_mem>>
    %dma_start3A_847 = tpu.memref_squeeze %dma_start3A_846 : memref<1x!tpu.dma_semaphore, #tpu.memory_space<semaphore_mem>> -> memref<!tpu.dma_semaphore, #tpu.memory_space<semaphore_mem>>
    %dma_start3A_848 = arith.constant 0 : i32
    %dma_start3A_849 = tpu.memref_slice %arg4[%add3A_837, %dma_start3A_848] : memref<8192x1024xf32, #tpu.memory_space<hbm>> -> memref<16x1024xf32, #tpu.memory_space<hbm>>
    %dma_start3A_850 = arith.constant 0 : i32
    %dma_start3A_851 = arith.constant 0 : i32
    %dma_start3A_852 = tpu.memref_slice %arg6[%dma_start3A_838, %dma_start3A_850, %dma_start3A_851] : memref<6x16x1024xf32, #tpu.memory_space<vmem>> -> memref<1x16x1024xf32, #tpu.memory_space<vmem>>
    %dma_start3A_853 = tpu.memref_squeeze %dma_start3A_852 : memref<1x16x1024xf32, #tpu.memory_space<vmem>> -> memref<16x1024xf32, #tpu.memory_space<vmem>>
    tpu.enqueue_dma source(%dma_start3A_853 : memref<16x1024xf32, #tpu.memory_space<vmem>>) target(%dma_start3A_849 : memref<16x1024xf32, #tpu.memory_space<hbm>>) target_semaphore(%dma_start3A_847 : memref<!tpu.dma_semaphore, #tpu.memory_space<semaphore_mem>>)
    %dma_wait3A_854 = arith.constant 3 : i32
    %dma_wait3A_855 = arith.constant 3 : i32
    %dma_wait3A_856 = arith.constant 0 : i32
    %dma_wait3A_857 = arith.constant 0 : i32
    %dma_wait3A_858 = tpu.memref_slice %arg6[%dma_wait3A_854, %dma_wait3A_856, %dma_wait3A_857] : memref<6x16x1024xf32, #tpu.memory_space<vmem>> -> memref<1x16x1024xf32, #tpu.memory_space<vmem>>
    %dma_wait3A_859 = tpu.memref_squeeze %dma_wait3A_858 : memref<1x16x1024xf32, #tpu.memory_space<vmem>> -> memref<16x1024xf32, #tpu.memory_space<vmem>>
    %dma_wait3A_860 = arith.constant 240 : i32
    %dma_wait3A_861 = tpu.memref_slice %arg5[%dma_wait3A_860] : memref<256xi32, #tpu.memory_space<vmem>> -> memref<16xi32, #tpu.memory_space<vmem>>
    %dma_wait3A_862 = arith.constant 0 : i32
    %dma_wait3A_863 = arith.constant 0 : i32
    %dma_wait3A_864 = tpu.memref_slice %arg3[%dma_wait3A_862, %dma_wait3A_863] : memref<100000x1024xf32, #tpu.memory_space<hbm>> -> memref<100000x1024xf32, #tpu.memory_space<hbm>>
    %dma_wait3A_865 = tpu.memref_slice %arg7[%dma_wait3A_855] : memref<6x!tpu.dma_semaphore, #tpu.memory_space<semaphore_mem>> -> memref<1x!tpu.dma_semaphore, #tpu.memory_space<semaphore_mem>>
    %dma_wait3A_866 = tpu.memref_squeeze %dma_wait3A_865 : memref<1x!tpu.dma_semaphore, #tpu.memory_space<semaphore_mem>> -> memref<!tpu.dma_semaphore, #tpu.memory_space<semaphore_mem>>
    tpu.wait_indirect_dma semaphore(%dma_wait3A_866 : memref<!tpu.dma_semaphore, #tpu.memory_space<semaphore_mem>>) src(%dma_wait3A_864 : memref<100000x1024xf32, #tpu.memory_space<hbm>>) dst(%dma_wait3A_859 : memref<16x1024xf32, #tpu.memory_space<vmem>>)
    %add3A_867 = arith.constant 240 : i32
    %add3A_868 = arith.addi %mul3A_2, %add3A_867 : i32
    %dma_start3A_869 = arith.constant 3 : i32
    %dma_start3A_870 = arith.constant 3 : i32
    %dma_start3A_871 = arith.constant 0 : i32
    %dma_start3A_872 = arith.constant 0 : i32
    %dma_start3A_873 = tpu.memref_slice %arg6[%dma_start3A_869, %dma_start3A_871, %dma_start3A_872] : memref<6x16x1024xf32, #tpu.memory_space<vmem>> -> memref<1x16x1024xf32, #tpu.memory_space<vmem>>
    %dma_start3A_874 = tpu.memref_squeeze %dma_start3A_873 : memref<1x16x1024xf32, #tpu.memory_space<vmem>> -> memref<16x1024xf32, #tpu.memory_space<vmem>>
    %dma_start3A_875 = arith.constant 0 : i32
    %dma_start3A_876 = tpu.memref_slice %arg4[%add3A_868, %dma_start3A_875] : memref<8192x1024xf32, #tpu.memory_space<hbm>> -> memref<16x1024xf32, #tpu.memory_space<hbm>>
    %dma_start3A_877 = tpu.memref_slice %arg8[%dma_start3A_870] : memref<6x!tpu.dma_semaphore, #tpu.memory_space<semaphore_mem>> -> memref<1x!tpu.dma_semaphore, #tpu.memory_space<semaphore_mem>>
    %dma_start3A_878 = tpu.memref_squeeze %dma_start3A_877 : memref<1x!tpu.dma_semaphore, #tpu.memory_space<semaphore_mem>> -> memref<!tpu.dma_semaphore, #tpu.memory_space<semaphore_mem>>
    %dma_start3A_879 = arith.constant 0 : i32
    %dma_start3A_880 = tpu.memref_slice %arg4[%add3A_868, %dma_start3A_879] : memref<8192x1024xf32, #tpu.memory_space<hbm>> -> memref<16x1024xf32, #tpu.memory_space<hbm>>
    %dma_start3A_881 = arith.constant 0 : i32
    %dma_start3A_882 = arith.constant 0 : i32
    %dma_start3A_883 = tpu.memref_slice %arg6[%dma_start3A_869, %dma_start3A_881, %dma_start3A_882] : memref<6x16x1024xf32, #tpu.memory_space<vmem>> -> memref<1x16x1024xf32, #tpu.memory_space<vmem>>
    %dma_start3A_884 = tpu.memref_squeeze %dma_start3A_883 : memref<1x16x1024xf32, #tpu.memory_space<vmem>> -> memref<16x1024xf32, #tpu.memory_space<vmem>>
    tpu.enqueue_dma source(%dma_start3A_884 : memref<16x1024xf32, #tpu.memory_space<vmem>>) target(%dma_start3A_880 : memref<16x1024xf32, #tpu.memory_space<hbm>>) target_semaphore(%dma_start3A_878 : memref<!tpu.dma_semaphore, #tpu.memory_space<semaphore_mem>>)
    %add3A_885 = arith.constant 160 : i32
    %add3A_886 = arith.addi %mul3A_2, %add3A_885 : i32
    %dma_wait3A_887 = arith.constant 4 : i32
    %dma_wait3A_888 = arith.constant 4 : i32
    %dma_wait3A_889 = arith.constant 0 : i32
    %dma_wait3A_890 = arith.constant 0 : i32
    %dma_wait3A_891 = tpu.memref_slice %arg6[%dma_wait3A_887, %dma_wait3A_889, %dma_wait3A_890] : memref<6x16x1024xf32, #tpu.memory_space<vmem>> -> memref<1x16x1024xf32, #tpu.memory_space<vmem>>
    %dma_wait3A_892 = tpu.memref_squeeze %dma_wait3A_891 : memref<1x16x1024xf32, #tpu.memory_space<vmem>> -> memref<16x1024xf32, #tpu.memory_space<vmem>>
    %dma_wait3A_893 = arith.constant 0 : i32
    %dma_wait3A_894 = tpu.memref_slice %arg4[%add3A_886, %dma_wait3A_893] : memref<8192x1024xf32, #tpu.memory_space<hbm>> -> memref<16x1024xf32, #tpu.memory_space<hbm>>
    %dma_wait3A_895 = tpu.memref_slice %arg8[%dma_wait3A_888] : memref<6x!tpu.dma_semaphore, #tpu.memory_space<semaphore_mem>> -> memref<1x!tpu.dma_semaphore, #tpu.memory_space<semaphore_mem>>
    %dma_wait3A_896 = tpu.memref_squeeze %dma_wait3A_895 : memref<1x!tpu.dma_semaphore, #tpu.memory_space<semaphore_mem>> -> memref<!tpu.dma_semaphore, #tpu.memory_space<semaphore_mem>>
    %dma_wait3A_897 = arith.constant 0 : i32
    %dma_wait3A_898 = tpu.memref_slice %arg4[%add3A_886, %dma_wait3A_897] : memref<8192x1024xf32, #tpu.memory_space<hbm>> -> memref<16x1024xf32, #tpu.memory_space<hbm>>
    %dma_wait3A_899 = arith.constant 0 : i32
    %dma_wait3A_900 = arith.constant 0 : i32
    %dma_wait3A_901 = tpu.memref_slice %arg6[%dma_wait3A_887, %dma_wait3A_899, %dma_wait3A_900] : memref<6x16x1024xf32, #tpu.memory_space<vmem>> -> memref<1x16x1024xf32, #tpu.memory_space<vmem>>
    %dma_wait3A_902 = tpu.memref_squeeze %dma_wait3A_901 : memref<1x16x1024xf32, #tpu.memory_space<vmem>> -> memref<16x1024xf32, #tpu.memory_space<vmem>>
    tpu.wait_dma2 semaphore(%dma_wait3A_896 : memref<!tpu.dma_semaphore, #tpu.memory_space<semaphore_mem>>) src(%dma_wait3A_902 : memref<16x1024xf32, #tpu.memory_space<vmem>>) dst(%dma_wait3A_898 : memref<16x1024xf32, #tpu.memory_space<hbm>>)
    %add3A_903 = arith.constant 176 : i32
    %add3A_904 = arith.addi %mul3A_2, %add3A_903 : i32
    %dma_wait3A_905 = arith.constant 5 : i32
    %dma_wait3A_906 = arith.constant 5 : i32
    %dma_wait3A_907 = arith.constant 0 : i32
    %dma_wait3A_908 = arith.constant 0 : i32
    %dma_wait3A_909 = tpu.memref_slice %arg6[%dma_wait3A_905, %dma_wait3A_907, %dma_wait3A_908] : memref<6x16x1024xf32, #tpu.memory_space<vmem>> -> memref<1x16x1024xf32, #tpu.memory_space<vmem>>
    %dma_wait3A_910 = tpu.memref_squeeze %dma_wait3A_909 : memref<1x16x1024xf32, #tpu.memory_space<vmem>> -> memref<16x1024xf32, #tpu.memory_space<vmem>>
    %dma_wait3A_911 = arith.constant 0 : i32
    %dma_wait3A_912 = tpu.memref_slice %arg4[%add3A_904, %dma_wait3A_911] : memref<8192x1024xf32, #tpu.memory_space<hbm>> -> memref<16x1024xf32, #tpu.memory_space<hbm>>
    %dma_wait3A_913 = tpu.memref_slice %arg8[%dma_wait3A_906] : memref<6x!tpu.dma_semaphore, #tpu.memory_space<semaphore_mem>> -> memref<1x!tpu.dma_semaphore, #tpu.memory_space<semaphore_mem>>
    %dma_wait3A_914 = tpu.memref_squeeze %dma_wait3A_913 : memref<1x!tpu.dma_semaphore, #tpu.memory_space<semaphore_mem>> -> memref<!tpu.dma_semaphore, #tpu.memory_space<semaphore_mem>>
    %dma_wait3A_915 = arith.constant 0 : i32
    %dma_wait3A_916 = tpu.memref_slice %arg4[%add3A_904, %dma_wait3A_915] : memref<8192x1024xf32, #tpu.memory_space<hbm>> -> memref<16x1024xf32, #tpu.memory_space<hbm>>
    %dma_wait3A_917 = arith.constant 0 : i32
    %dma_wait3A_918 = arith.constant 0 : i32
    %dma_wait3A_919 = tpu.memref_slice %arg6[%dma_wait3A_905, %dma_wait3A_917, %dma_wait3A_918] : memref<6x16x1024xf32, #tpu.memory_space<vmem>> -> memref<1x16x1024xf32, #tpu.memory_space<vmem>>
    %dma_wait3A_920 = tpu.memref_squeeze %dma_wait3A_919 : memref<1x16x1024xf32, #tpu.memory_space<vmem>> -> memref<16x1024xf32, #tpu.memory_space<vmem>>
    tpu.wait_dma2 semaphore(%dma_wait3A_914 : memref<!tpu.dma_semaphore, #tpu.memory_space<semaphore_mem>>) src(%dma_wait3A_920 : memref<16x1024xf32, #tpu.memory_space<vmem>>) dst(%dma_wait3A_916 : memref<16x1024xf32, #tpu.memory_space<hbm>>)
    %add3A_921 = arith.constant 192 : i32
    %add3A_922 = arith.addi %mul3A_2, %add3A_921 : i32
    %dma_wait3A_923 = arith.constant 0 : i32
    %dma_wait3A_924 = arith.constant 0 : i32
    %dma_wait3A_925 = arith.constant 0 : i32
    %dma_wait3A_926 = arith.constant 0 : i32
    %dma_wait3A_927 = tpu.memref_slice %arg6[%dma_wait3A_923, %dma_wait3A_925, %dma_wait3A_926] : memref<6x16x1024xf32, #tpu.memory_space<vmem>> -> memref<1x16x1024xf32, #tpu.memory_space<vmem>>
    %dma_wait3A_928 = tpu.memref_squeeze %dma_wait3A_927 : memref<1x16x1024xf32, #tpu.memory_space<vmem>> -> memref<16x1024xf32, #tpu.memory_space<vmem>>
    %dma_wait3A_929 = arith.constant 0 : i32
    %dma_wait3A_930 = tpu.memref_slice %arg4[%add3A_922, %dma_wait3A_929] : memref<8192x1024xf32, #tpu.memory_space<hbm>> -> memref<16x1024xf32, #tpu.memory_space<hbm>>
    %dma_wait3A_931 = tpu.memref_slice %arg8[%dma_wait3A_924] : memref<6x!tpu.dma_semaphore, #tpu.memory_space<semaphore_mem>> -> memref<1x!tpu.dma_semaphore, #tpu.memory_space<semaphore_mem>>
    %dma_wait3A_932 = tpu.memref_squeeze %dma_wait3A_931 : memref<1x!tpu.dma_semaphore, #tpu.memory_space<semaphore_mem>> -> memref<!tpu.dma_semaphore, #tpu.memory_space<semaphore_mem>>
    %dma_wait3A_933 = arith.constant 0 : i32
    %dma_wait3A_934 = tpu.memref_slice %arg4[%add3A_922, %dma_wait3A_933] : memref<8192x1024xf32, #tpu.memory_space<hbm>> -> memref<16x1024xf32, #tpu.memory_space<hbm>>
    %dma_wait3A_935 = arith.constant 0 : i32
    %dma_wait3A_936 = arith.constant 0 : i32
    %dma_wait3A_937 = tpu.memref_slice %arg6[%dma_wait3A_923, %dma_wait3A_935, %dma_wait3A_936] : memref<6x16x1024xf32, #tpu.memory_space<vmem>> -> memref<1x16x1024xf32, #tpu.memory_space<vmem>>
    %dma_wait3A_938 = tpu.memref_squeeze %dma_wait3A_937 : memref<1x16x1024xf32, #tpu.memory_space<vmem>> -> memref<16x1024xf32, #tpu.memory_space<vmem>>
    tpu.wait_dma2 semaphore(%dma_wait3A_932 : memref<!tpu.dma_semaphore, #tpu.memory_space<semaphore_mem>>) src(%dma_wait3A_938 : memref<16x1024xf32, #tpu.memory_space<vmem>>) dst(%dma_wait3A_934 : memref<16x1024xf32, #tpu.memory_space<hbm>>)
    %add3A_939 = arith.constant 208 : i32
    %add3A_940 = arith.addi %mul3A_2, %add3A_939 : i32
    %dma_wait3A_941 = arith.constant 1 : i32
    %dma_wait3A_942 = arith.constant 1 : i32
    %dma_wait3A_943 = arith.constant 0 : i32
    %dma_wait3A_944 = arith.constant 0 : i32
    %dma_wait3A_945 = tpu.memref_slice %arg6[%dma_wait3A_941, %dma_wait3A_943, %dma_wait3A_944] : memref<6x16x1024xf32, #tpu.memory_space<vmem>> -> memref<1x16x1024xf32, #tpu.memory_space<vmem>>
    %dma_wait3A_946 = tpu.memref_squeeze %dma_wait3A_945 : memref<1x16x1024xf32, #tpu.memory_space<vmem>> -> memref<16x1024xf32, #tpu.memory_space<vmem>>
    %dma_wait3A_947 = arith.constant 0 : i32
    %dma_wait3A_948 = tpu.memref_slice %arg4[%add3A_940, %dma_wait3A_947] : memref<8192x1024xf32, #tpu.memory_space<hbm>> -> memref<16x1024xf32, #tpu.memory_space<hbm>>
    %dma_wait3A_949 = tpu.memref_slice %arg8[%dma_wait3A_942] : memref<6x!tpu.dma_semaphore, #tpu.memory_space<semaphore_mem>> -> memref<1x!tpu.dma_semaphore, #tpu.memory_space<semaphore_mem>>
    %dma_wait3A_950 = tpu.memref_squeeze %dma_wait3A_949 : memref<1x!tpu.dma_semaphore, #tpu.memory_space<semaphore_mem>> -> memref<!tpu.dma_semaphore, #tpu.memory_space<semaphore_mem>>
    %dma_wait3A_951 = arith.constant 0 : i32
    %dma_wait3A_952 = tpu.memref_slice %arg4[%add3A_940, %dma_wait3A_951] : memref<8192x1024xf32, #tpu.memory_space<hbm>> -> memref<16x1024xf32, #tpu.memory_space<hbm>>
    %dma_wait3A_953 = arith.constant 0 : i32
    %dma_wait3A_954 = arith.constant 0 : i32
    %dma_wait3A_955 = tpu.memref_slice %arg6[%dma_wait3A_941, %dma_wait3A_953, %dma_wait3A_954] : memref<6x16x1024xf32, #tpu.memory_space<vmem>> -> memref<1x16x1024xf32, #tpu.memory_space<vmem>>
    %dma_wait3A_956 = tpu.memref_squeeze %dma_wait3A_955 : memref<1x16x1024xf32, #tpu.memory_space<vmem>> -> memref<16x1024xf32, #tpu.memory_space<vmem>>
    tpu.wait_dma2 semaphore(%dma_wait3A_950 : memref<!tpu.dma_semaphore, #tpu.memory_space<semaphore_mem>>) src(%dma_wait3A_956 : memref<16x1024xf32, #tpu.memory_space<vmem>>) dst(%dma_wait3A_952 : memref<16x1024xf32, #tpu.memory_space<hbm>>)
    %add3A_957 = arith.constant 224 : i32
    %add3A_958 = arith.addi %mul3A_2, %add3A_957 : i32
    %dma_wait3A_959 = arith.constant 2 : i32
    %dma_wait3A_960 = arith.constant 2 : i32
    %dma_wait3A_961 = arith.constant 0 : i32
    %dma_wait3A_962 = arith.constant 0 : i32
    %dma_wait3A_963 = tpu.memref_slice %arg6[%dma_wait3A_959, %dma_wait3A_961, %dma_wait3A_962] : memref<6x16x1024xf32, #tpu.memory_space<vmem>> -> memref<1x16x1024xf32, #tpu.memory_space<vmem>>
    %dma_wait3A_964 = tpu.memref_squeeze %dma_wait3A_963 : memref<1x16x1024xf32, #tpu.memory_space<vmem>> -> memref<16x1024xf32, #tpu.memory_space<vmem>>
    %dma_wait3A_965 = arith.constant 0 : i32
    %dma_wait3A_966 = tpu.memref_slice %arg4[%add3A_958, %dma_wait3A_965] : memref<8192x1024xf32, #tpu.memory_space<hbm>> -> memref<16x1024xf32, #tpu.memory_space<hbm>>
    %dma_wait3A_967 = tpu.memref_slice %arg8[%dma_wait3A_960] : memref<6x!tpu.dma_semaphore, #tpu.memory_space<semaphore_mem>> -> memref<1x!tpu.dma_semaphore, #tpu.memory_space<semaphore_mem>>
    %dma_wait3A_968 = tpu.memref_squeeze %dma_wait3A_967 : memref<1x!tpu.dma_semaphore, #tpu.memory_space<semaphore_mem>> -> memref<!tpu.dma_semaphore, #tpu.memory_space<semaphore_mem>>
    %dma_wait3A_969 = arith.constant 0 : i32
    %dma_wait3A_970 = tpu.memref_slice %arg4[%add3A_958, %dma_wait3A_969] : memref<8192x1024xf32, #tpu.memory_space<hbm>> -> memref<16x1024xf32, #tpu.memory_space<hbm>>
    %dma_wait3A_971 = arith.constant 0 : i32
    %dma_wait3A_972 = arith.constant 0 : i32
    %dma_wait3A_973 = tpu.memref_slice %arg6[%dma_wait3A_959, %dma_wait3A_971, %dma_wait3A_972] : memref<6x16x1024xf32, #tpu.memory_space<vmem>> -> memref<1x16x1024xf32, #tpu.memory_space<vmem>>
    %dma_wait3A_974 = tpu.memref_squeeze %dma_wait3A_973 : memref<1x16x1024xf32, #tpu.memory_space<vmem>> -> memref<16x1024xf32, #tpu.memory_space<vmem>>
    tpu.wait_dma2 semaphore(%dma_wait3A_968 : memref<!tpu.dma_semaphore, #tpu.memory_space<semaphore_mem>>) src(%dma_wait3A_974 : memref<16x1024xf32, #tpu.memory_space<vmem>>) dst(%dma_wait3A_970 : memref<16x1024xf32, #tpu.memory_space<hbm>>)
    %add3A_975 = arith.constant 240 : i32
    %add3A_976 = arith.addi %mul3A_2, %add3A_975 : i32
    %dma_wait3A_977 = arith.constant 3 : i32
    %dma_wait3A_978 = arith.constant 3 : i32
    %dma_wait3A_979 = arith.constant 0 : i32
    %dma_wait3A_980 = arith.constant 0 : i32
    %dma_wait3A_981 = tpu.memref_slice %arg6[%dma_wait3A_977, %dma_wait3A_979, %dma_wait3A_980] : memref<6x16x1024xf32, #tpu.memory_space<vmem>> -> memref<1x16x1024xf32, #tpu.memory_space<vmem>>
    %dma_wait3A_982 = tpu.memref_squeeze %dma_wait3A_981 : memref<1x16x1024xf32, #tpu.memory_space<vmem>> -> memref<16x1024xf32, #tpu.memory_space<vmem>>
    %dma_wait3A_983 = arith.constant 0 : i32
    %dma_wait3A_984 = tpu.memref_slice %arg4[%add3A_976, %dma_wait3A_983] : memref<8192x1024xf32, #tpu.memory_space<hbm>> -> memref<16x1024xf32, #tpu.memory_space<hbm>>
    %dma_wait3A_985 = tpu.memref_slice %arg8[%dma_wait3A_978] : memref<6x!tpu.dma_semaphore, #tpu.memory_space<semaphore_mem>> -> memref<1x!tpu.dma_semaphore, #tpu.memory_space<semaphore_mem>>
    %dma_wait3A_986 = tpu.memref_squeeze %dma_wait3A_985 : memref<1x!tpu.dma_semaphore, #tpu.memory_space<semaphore_mem>> -> memref<!tpu.dma_semaphore, #tpu.memory_space<semaphore_mem>>
    %dma_wait3A_987 = arith.constant 0 : i32
    %dma_wait3A_988 = tpu.memref_slice %arg4[%add3A_976, %dma_wait3A_987] : memref<8192x1024xf32, #tpu.memory_space<hbm>> -> memref<16x1024xf32, #tpu.memory_space<hbm>>
    %dma_wait3A_989 = arith.constant 0 : i32
    %dma_wait3A_990 = arith.constant 0 : i32
    %dma_wait3A_991 = tpu.memref_slice %arg6[%dma_wait3A_977, %dma_wait3A_989, %dma_wait3A_990] : memref<6x16x1024xf32, #tpu.memory_space<vmem>> -> memref<1x16x1024xf32, #tpu.memory_space<vmem>>
    %dma_wait3A_992 = tpu.memref_squeeze %dma_wait3A_991 : memref<1x16x1024xf32, #tpu.memory_space<vmem>> -> memref<16x1024xf32, #tpu.memory_space<vmem>>
    tpu.wait_dma2 semaphore(%dma_wait3A_986 : memref<!tpu.dma_semaphore, #tpu.memory_space<semaphore_mem>>) src(%dma_wait3A_992 : memref<16x1024xf32, #tpu.memory_space<vmem>>) dst(%dma_wait3A_988 : memref<16x1024xf32, #tpu.memory_space<hbm>>)
    return
  }
}

</mosaic_0001>

<sc_bundles>
// kernel: kernel.3.cloned.1.call-start
scs
__scs_entry_jumppad:
0x0: {  	(pc) =	sbr.rel $0x88, $3  }
0x1: {  	(tag) =	ssettag $0x0;
	lr =	simm.s32 $0x1  }
0x2: {  	[smem:$0x3F9F] =	sst lr;
	_ =	strace $0xD0000000  }
0x3: {  	_ = 	snop  }
0x4: {  	_ = 	snop  }
0x5: {  	_ = 	snop  }
0x6: {  	_ = 	snop  }
0x7: {  	_ = 	snop  }
__scs_overlays_trampoline_lowered:
0x8: {  	[smem:$0x3FAE] =	sst s0  }
0x9: {  	[smem:$0x3FAF] =	sst s1  }
0xa: {  	[smem:$0x3FB0] =	sst s2  }
0xb: {  	[smem:$0x3FB1] =	sst s3  }
0xc: {  	[smem:$0x3FB2] =	sst s4  }
0xd: {  	[smem:$0x3FB3] =	sst s5  }
0xe: {  	[smem:$0x3FB4] =	sst s6  }
0xf: {  	[smem:$0x3FB5] =	sst s7  }
0x10: {  	[smem:$0x3FB6] =	sst s8  }
0x11: {  	[smem:$0x3FB7] =	sst s9;
	s0 =	simm.s32 @!p0 $0x0  }
0x12: {  	s1 =	sld [smem:$0x3F9D];
	s0 =	simm.s32 @p0 $0x1  }
0x13: {  	[smem:$0x3FB8] =	sst s0;
	s0 =	simm.s32 @!p1 $0x0  }
0x14: {  	s2 =	sld [smem:$0x3F9C];
	s0 =	simm.s32 @p1 $0x1  }
0x15: {  	[smem:$0x3FB9] =	sst s0;
	s0 =	simm.s32 @!p2 $0x0  }
0x16: {  	s3 =	sld [smem:$0x3FDB];
	s0 =	simm.s32 @p2 $0x1  }
0x17: {  	s4 =	simm.s32 $0x1BF5;
	[smem:$0x3FBB] =	sst s0  }
0x18: {  	s0 =	sld [smem:$0x3F9E];
	_ =	swait.ge [sflag:s4], $0x0  }
0x19: {  	s7 =	sld [smem:$0x3F9F]  }
0x1a: {  	s8 =	sadd.s32 $0xFFFFE003, lr  }
0x1b: {  	s9 =	sadd.s32 $0xFFFFFEF7, lr;
	s5 =	simm.s32 $0xFFFFFFFF;
	p2 =	slt.u32 s8, $0xFFFFF086  }
0x1c: {  	p1 =	slt.u32 s9, $0xF7A;
	s5 =	simm.s32 @!p2 $0x0  }
0x1d: {  	s5 =	simm.s32 @p1 $0x1;
	p0 =	seq.s32 s7, s2  }
0x1e: {  	s7 =	smul.u32 @!p0 $0xF7A, s2;
	p2 =	seq.s32 @!p0 s5, $0x0  }
0x1f: {  	s9 =	smul.u32 $0xF7A, s1;
	s8 =	simm.s32 @!p0 $0x1BF5;
	p2 =	por !p2, p0  }
0x20: {  	[sflag:s8] =	ssyncset.s32 @!p0 $0xFFFFF086;
	s6 =	sadd.s32 @!p0 s3, s7;
	s7 =	simm.s32 @!p0 $0x108  }
0x21: {  	s3 =	sadd.s32 s3, s9;
	s6 =	sadd.s32 @!p0 $0x88, s6;
	s7 =	simm.s32 @p2 $0x1082  }
0x22: {  	[simem:s7], [sflag:s8] =	dma.local @!p0 [hbm:s6], $0xF7A  }
0x23: {  	s9 =	sor.u32 $0xD0000000, s2;
	s6 =	simm.s32 $0x108;
	_ =	swait.ge @!p0 [sflag:s8], $0x0  }
0x24: {  	s3 =	sadd.s32 $0x88, s3;
	s6 =	simm.s32 @!p1 $0x1082;
	[sflag:s4] =	ssyncset.s32 $0xFFFFF086  }
0x25: {  	[simem:s6], [sflag:s4] =	dma.local [hbm:s3], $0xF7A  }
0x26: {  	[smem:$0x3F9F] =	sst s1;
	(tag) =	ssettag s2;
	_ =	strace s9  }
0x27: {  	s1 =	sld [smem:$0x3FAF]  }
0x28: {  	s2 =	sld [smem:$0x3FB0]  }
0x29: {  	s4 =	sld [smem:$0x3FB2]  }
0x2a: {  	p0 =	seq.s32 s5, $0x0;
	s5 =	sld [smem:$0x3FB3]  }
0x2b: {  	s6 =	sld [smem:$0x3FB4]  }
0x2c: {  	s7 =	sld [smem:$0x3FB5]  }
0x2d: {  	s3 =	simm.s32 $0x108;
	s8 =	sld [smem:$0x3FB6]  }
0x2e: {  	s3 =	simm.s32 @!p0 $0x1082;
	s9 =	sld [smem:$0x3FB7]  }
0x2f: {  	lr =	sadd.s32 s0, s3;
	s0 =	sld [smem:$0x3FAE]  }
0x30: {  	s3 =	sld [smem:$0x3FB1]  }
0x31: {  	[smem:$0x3FBA] =	sst s10  }
0x32: {  	s10 =	sld [smem:$0x3FB8];
	_ =	sdelay $0x3  }
0x33: {  	p0 =	seq.s32 s10, $0x1;
	s10 =	sld [smem:$0x3FBA];
	_ =	sdelay $0x3  }
0x34: {  	[smem:$0x3FBA] =	sst s10  }
0x35: {  	s10 =	sld [smem:$0x3FB9];
	_ =	sdelay $0x3  }
0x36: {  	p1 =	seq.s32 s10, $0x1;
	s10 =	sld [smem:$0x3FBA];
	_ =	sdelay $0x3  }
0x37: {  	[smem:$0x3FBA] =	sst s10  }
0x38: {  	s10 =	sld [smem:$0x3FBB]  }
0x39: {  	_ = 	snop;
	(pc) =	sbr.ind lr, $3  }
0x3a: {  	_ = 	snop  }
0x3b: {  	_ = 	snop  }
0x3c: {  	p2 =	seq.s32 s10, $0x1;
	s10 =	sld [smem:$0x3FBA]  }
0x3d: {  	_ =	shalt  }
0x3e: {  	_ =	shalt  }
0x3f: {  	_ =	shalt  }
0x40: {  	_ =	shalt  }
0x41: {  	_ =	shalt  }
0x42: {  	_ =	shalt  }
0x43: {  	_ =	shalt  }
0x44: {  	_ =	shalt  }
0x45: {  	_ =	shalt  }
0x46: {  	_ =	shalt  }
0x47: {  	_ =	shalt  }
0x48: {  	_ =	shalt  }
0x49: {  	_ =	shalt  }
0x4a: {  	_ =	shalt  }
0x4b: {  	_ =	shalt  }
0x4c: {  	_ =	shalt  }
0x4d: {  	_ =	shalt  }
0x4e: {  	_ =	shalt  }
0x4f: {  	_ =	shalt  }
0x50: {  	_ =	shalt  }
0x51: {  	_ =	shalt  }
0x52: {  	_ =	shalt  }
0x53: {  	_ =	shalt  }
0x54: {  	_ =	shalt  }
0x55: {  	_ =	shalt  }
0x56: {  	_ =	shalt  }
0x57: {  	_ =	shalt  }
0x58: {  	_ =	shalt  }
0x59: {  	_ =	shalt  }
0x5a: {  	_ =	shalt  }
0x5b: {  	_ =	shalt  }
0x5c: {  	_ =	shalt  }
0x5d: {  	_ =	shalt  }
0x5e: {  	_ =	shalt  }
0x5f: {  	_ =	shalt  }
0x60: {  	_ =	shalt  }
0x61: {  	_ =	shalt  }
0x62: {  	_ =	shalt  }
0x63: {  	_ =	shalt  }
0x64: {  	_ =	shalt  }
0x65: {  	_ =	shalt  }
0x66: {  	_ =	shalt  }
0x67: {  	_ =	shalt  }
0x68: {  	_ =	shalt  }
0x69: {  	_ =	shalt  }
0x6a: {  	_ =	shalt  }
0x6b: {  	_ =	shalt  }
0x6c: {  	_ =	shalt  }
0x6d: {  	_ =	shalt  }
0x6e: {  	_ =	shalt  }
0x6f: {  	_ =	shalt  }
0x70: {  	_ =	shalt  }
0x71: {  	_ =	shalt  }
0x72: {  	_ =	shalt  }
0x73: {  	_ =	shalt  }
0x74: {  	_ =	shalt  }
0x75: {  	_ =	shalt  }
0x76: {  	_ =	shalt  }
0x77: {  	_ =	shalt  }
0x78: {  	_ =	shalt  }
0x79: {  	_ =	shalt  }
0x7a: {  	_ =	shalt  }
0x7b: {  	_ =	shalt  }
0x7c: {  	_ =	shalt  }
0x7d: {  	_ =	shalt  }
0x7e: {  	_ =	shalt  }
0x7f: {  	_ =	shalt  }
0x80: {  	_ =	shalt  }
0x81: {  	_ =	shalt  }
0x82: {  	_ =	shalt  }
0x83: {  	_ =	shalt  }
0x84: {  	_ =	shalt  }
0x85: {  	_ =	shalt  }
0x86: {  	_ =	shalt  }
0x87: {  	_ =	shalt  }
.Lfunc_end0:
.L_simem_size_0:
called_computation_lowered:
.L_overlay_start_0:
0x88: {  	s2 =	sld [smem:$0x3FD9]  }
0x89: {  	s3 =	sld [smem:$0x3FFE];
	_ =	sdelay $0x1  }
0x8a: {  	s1 =	srdreg.scid  }
0x8b: {  	s0 =	sand.u32 $0x1, s1  }
0x8c: {  	s17 =	sshll.u32 s0, $0xA;
	s2 =	sadd.s32 s3, s2  }
0x8d: {  	s2 =	sadd.s32 s2, s17  }
0x8e: {  	[smem:$0x3FC6] =	sst s2  }
0x8f: {  	_ = 	snop  }
0x90: {  	s2 =	sld [smem:$0x3FC8]  }
0x91: {  	s18 =	sld [smem:$0x3FD0];
	(tm) =	ssettm $0x1  }
0x92: {  	s4 =	sld [smem:$0x3FFB];
	_ =	sdelay $0x3  }
0x93: {  	_ =	strace s4  }
0x94: {  	s4 =	sld [smem:$0x3FFC];
	_ =	sdelay $0x3  }
0x95: {  	_ =	strace s4  }
0x96: {  	s4 =	sld [smem:$0x3FFD];
	_ =	sdelay $0x3  }
0x97: {  	_ =	strace s4  }
0x98: {  	_ =	strace $0x8FFFFFFF  }
0x99: {  	s19 =	sld [smem:$0x3FDB];
	_ =	sdelay $0x1  }
0x9a: {  	s5 =	simm.s32 $_scs_section_size  }
0x9b: {  	s6 =	simm.s32 $_size__tile_overlayer_lowered;
	s7 =	simm.s32 $_tile_overlayer_lowered  }
0x9c: {  	s22 =	simm.s32 $0x1BFF;
	s21 =	sshll.u32 s7, $0x1;
	s4 =	sadd.s32 s5, s19  }
0x9d: {  	s8 =	simm.s32 $0x0;
	s20 =	sshll.u32 s6, $0x1;
	s6 =	sadd.s32 s21, s4  }
0x9e: {  	[timem:s8], [sflag:s22] =	dma.local [hbm:s6], s20  }
0x9f: {  	_ =	swait.ge [sflag:s22], s20  }
0xa0: {  	s5 =	ssub.s32 $0x0, s20;
	[sflag:s22] =	ssyncset.done $0x0  }
0xa1: {  	[sflag:s22] =	ssyncadd.s32 s5;
	_ =	sdelay $0x1  }
0xa2: {  	s23 =	simm.s32 $0x1B8B  }
0xa3: {  	_ =	swait.ge [sflag:s23], $0x1  }
0xa4: {  	[sflag:s23] =	ssyncset.done $0x0  }
0xa5: {  	s25 =	simm.s32 $0x1B8E;
	s24 =	sld [smem:$0x3FFE];
	[sflag:s23] =	ssyncadd.s32 $0xFFFFFFFF  }
0xa6: {  	s26 =	simm.s32 $execute0_lowered;
	[smem:$0x3FD2] =	sst s25  }
0xa7: {  	s6 =	sshll.u32 s26, $0x1;
	_ =	strace $0x80000046;
	[dreg:$0x1] =	wrdreg $0xFFFFFFFF  }
0xa8: {  	s28 =	simm.s32 $_size_execute0_lowered;
	s4 =	sadd.s32 s4, s6;
	[dreg:$0x0] =	wrdreg $0x0  }
0xa9: {  	s6 =	sshll.u32 s28, $0x1;
	[dreg:$0x2] =	wrdreg s4  }
0xaa: {  	[dreg:$0x3] =	wrdreg s6  }
0xab: {  	[dreg:$0x4] =	wrdreg $0xC0  }
0xac: {  	_ =	task [dreg:s8], $0x5FFFF  }
0xad: {  	[dreg:$0x1] =	wrdreg $0xFFFFFFFF  }
0xae: {  	[dreg:$0x0] =	wrdreg $0x60  }
0xaf: {  	[dreg:$0x2] =	wrdreg s24  }
0xb0: {  	[dreg:$0x3] =	wrdreg s2  }
0xb1: {  	[dreg:$0x4] =	wrdreg s18  }
0xb2: {  	[dreg:$0x5] =	wrdreg $0x9  }
0xb3: {  	_ =	task.clear_ibuf [dreg:s8], $0x6FFFF;
	_ =	strace $0x90000046  }
0xb4: {  	s29 =	simm.s32 $0x9;
	_ =	strace $0x80000048  }
0xb5: {  	_ =	swait.ge [sflag:s29], $0x1  }
0xb6: {  	[sflag:s29] =	ssyncadd.s32 $0xFFFFFFFF  }
0xb7: {  	_ =	strace $0x90000048  }
0xb8: {  	_ =	sfence  }
0xb9: {  	s30 =	sld [smem:$0x0];
	_ =	sdelay $0x2  }
0xba: {  	s31 =	sshll.u32 s1, $0xD;
	s1 =	sshrl.u32 s1, $0x2  }
0xbb: {  	s3 =	sand.u32 $0x4000, s31;
	s1 =	sadd.s32 s1, s30  }
0xbc: {  	s0 =	sor.u32 s3, s0;
	s1 =	sshll.u32 s1, $0x11  }
0xbd: {  	s0 =	sor.u32 s1, s0  }
0xbe: {  	s0 =	sadd.s32 $0x8F2B, s0  }
0xbf: {  	[sflag:s0] =	ssyncadd.remote.s32 $0x1  }
0xc0: {  	_ =	sfence.sel $0xFFFF  }
0xc1: {  	[dreg:$0x0] =	wrdreg $0xFFFFFFFF;
	(pc) =	sbr.abs _section_cstart, $3  }
0xc2: {  	[dreg:$0x1] =	wrdreg $0xFFFFFFFF  }
0xc3: {  	_ =	task.clear_ibuf [dreg:s8], $0x2FFFF;
	_ =	strace $0x9FFFFFFF  }
0xc4: {  	(tm) =	ssettm $0x7FFFFFFF  }
0xc5: {  	_ =	shalt  }
tec
execute0_lowered:
.L_overlay_start_1:
0x0: {  	(tag) =	ssettag $0x1  }
0x1: {  	s0 =	srdreg.scid  }
0x2: {  	s1 =	rddreg [dreg:$0x0];
	s3 =	stileid.u32;
	s0 =	sand.u32 $0x1, s0  }
0x3: {  	s2 =	rddreg [dreg:$0x1];
	s3 =	sshll.u32 s3, $0x9;
	s4 =	sshll.u32 s0, $0x8  }
0x4: {  	s5 =	rddreg [dreg:$0x2];
	s4 =	sor.u32 s4, s3  }
0x5: {  	s3 =	simm.s32 $0x0;
	s6 =	sshrl.u32 s4, $0x3;
	s4 =	sshll.u32 s4, $0x7  }
0x6: {  	[smem:$0x7FF] =	sst s3;
	s1 =	sadd.s32 s6, s1;
	s8 =	sadd.s32 s5, s4  }
0x7: {  	_ =	strace $0x80000047;
	s1 =	sadd.s32 $0x400, s1;
	[dreg:$0x14] =	wrdreg s8  }
0x8: {  	s11 =	sadd.s32 $0x800, s8;
	[dreg:$0x4] =	wrdreg s1  }
0x9: {  	s12 =	sadd.s32 $0x1000, s8;
	[dreg:$0x5] =	wrdreg s11  }
0xa: {  	s31 =	simm.s32 $0x1;
	s13 =	sadd.s32 $0x1800, s8;
	[dreg:$0x6] =	wrdreg s12  }
0xb: {  	s28 =	simm.s32 $0x8;
	s14 =	sadd.s32 $0x2000, s8;
	[dreg:$0x7] =	wrdreg s13  }
0xc: {  	s30 =	simm.s32 $0x9;
	s15 =	sadd.s32 $0x2800, s8;
	[dreg:$0x8] =	wrdreg s14  }
0xd: {  	s29 =	simm.s32 $0x8100;
	s16 =	sadd.s32 $0x3000, s8;
	[dreg:$0x9] =	wrdreg s15  }
0xe: {  	s9 =	simm.s32 $0xC100;
	s17 =	sadd.s32 $0x3800, s8;
	[dreg:$0xa] =	wrdreg s16  }
0xf: {  	s10 =	simm.s32 $0x10100;
	s18 =	sadd.s32 $0x4000, s8;
	[dreg:$0xb] =	wrdreg s17  }
0x10: {  	s7 =	sadd.s32 $0x300, s2;
	s19 =	sadd.s32 $0x4800, s8;
	[dreg:$0xc] =	wrdreg s18  }
0x11: {  	s0 =	ssub.s32 $0x2, s0;
	s20 =	sadd.s32 $0x5000, s8;
	[dreg:$0xd] =	wrdreg s19  }
0x12: {  	s21 =	sshrl.u32 s0, $0x1;
	s22 =	sadd.s32 $0x5800, s8;
	[dreg:$0xe] =	wrdreg s20  }
0x13: {  	s0 =	ssub.s32 s0, s21;
	s23 =	sadd.s32 $0x6000, s8;
	[dreg:$0xf] =	wrdreg s22  }
0x14: {  	s5 =	sadd.s32 $0x100, s2;
	s24 =	sadd.s32 $0x6800, s8;
	[dreg:$0x10] =	wrdreg s23  }
0x15: {  	s6 =	sadd.s32 $0x200, s2;
	s25 =	sadd.s32 $0x7000, s8;
	[dreg:$0x11] =	wrdreg s24  }
0x16: {  	s26 =	sadd.s32 $0x7800, s8;
	s8 =	smax.u32 s0, $0x1;
	[dreg:$0x12] =	wrdreg s25  }
0x17: {  	[dreg:$0x13] =	wrdreg s26;
	s22 =	simm.s32 $0x2;
	s23 =	simm.s32 $0x3  }
0x18: {  	s24 =	simm.s32 $0x7;
	s25 =	simm.s32 $0x4;
	s1 =	simm.s32 $0xA  }
0x19: {  	v2 =	vlaneseq.u32;
	s18 =	simm.s32 $0x100;
	s26 =	simm.s32 $0x4100;
	s20 =	simm.s32 $0x10900  }
0x1a: {  	vm0 =	vmmov $0xffff;
	v1 =	vshrl.u32 v2, $0x3;
	s13 =	simm.s32 $0x11900;
	s14 =	simm.s32 $0x12100;
	s15 =	simm.s32 $0x12900  }
0x1b: {  	v0 =	vand.u32 $0x7, v2;
	v2 =	vor.u32 $0x8, v2;
	v1 =	vmul.u32 $0x8, v1;
	s16 =	simm.s32 $0x13100;
	s17 =	simm.s32 $0x13900;
	s19 =	simm.s32 $0x14100  }
.LBB2_1:
0x1c: {  	s11 =	rddreg [dreg:$0x4];
	s4 =	simm.s32 $0xD  }
0x1d: {  	[tilespmem:s3], [sflag:$0xD] =	stream.linear.gather [hbm4b:s11+s3], $0x100, $0x38;
	[tilespmem:$0x18100] =	vst v63  }
0x1e: {  	_ =	swait.ge [sflag:s4], $0x100  }
0x1f: {  	[sflag:s4] =	ssyncset.done $0x0  }
0x20: {  	[sflag:s4] =	ssyncadd.s32 $0xFFFFFF00  }
0x21: {  	v3 =	vld [tilespmem:$0x0];
	_ =	sdelay $0x4  }
0x22: {  	v4 =	vshll.u32 v3, $0x3  }
0x23: {  	v3 =	vand.u32 $0x7, v3;
	v4 =	vand.u32 $0xFFFFFFC0, v4  }
0x24: {  	v3 =	vor.u32 v3, v4  }
0x25: {  	v4 =	vperm.xlane v3, v0;
	_ =	sdelay $0x1  }
0x26: {  	v4 =	vadd.s32 v1, v4;
	_ =	sdelay $0x4  }
0x27: {  	[tilespmem:s18], [sflag:$0x1] =	stream.indirect_vreg.gather [hbm4b:s2+s3], $0x80, v4, vm0, $0xb8;
	[tilespmem:$0x18100] =	vst v63  }
0x28: {  	s0 =	simm.s32 $0x900;
	v3 =	vperm.xlane v3, v2  }
0x29: {  	[tilespmem:s0], [sflag:$0x1] =	stream.indirect_vreg.gather [hbm4b:s5+s3], $0x80, v4, vm0, $0xb8;
	[tilespmem:$0x18100] =	vst v63  }
0x2a: {  	s12 =	simm.s32 $0x1100;
	v3 =	vadd.s32 v1, v3  }
0x2b: {  	[tilespmem:s12], [sflag:$0x1] =	stream.indirect_vreg.gather [hbm4b:s6+s3], $0x80, v4, vm0, $0xb8;
	[tilespmem:$0x18100] =	vst v63  }
0x2c: {  	s21 =	simm.s32 $0x1900  }
0x2d: {  	[tilespmem:s21], [sflag:$0x1] =	stream.indirect_vreg.gather [hbm4b:s7+s3], $0x80, v4, vm0, $0xb8;
	[tilespmem:$0x18100] =	vst v63  }
0x2e: {  	s11 =	simm.s32 $0x2100  }
0x2f: {  	[tilespmem:s11], [sflag:$0x1] =	stream.indirect_vreg.gather [hbm4b:s2+s3], $0x80, v3, vm0, $0xb8;
	[tilespmem:$0x18100] =	vst v63  }
0x30: {  	s12 =	simm.s32 $0x2900  }
0x31: {  	[tilespmem:s12], [sflag:$0x1] =	stream.indirect_vreg.gather [hbm4b:s5+s3], $0x80, v3, vm0, $0xb8;
	[tilespmem:$0x18100] =	vst v63  }
0x32: {  	s21 =	simm.s32 $0x3100  }
0x33: {  	[tilespmem:s21], [sflag:$0x1] =	stream.indirect_vreg.gather [hbm4b:s6+s3], $0x80, v3, vm0, $0xb8;
	[tilespmem:$0x18100] =	vst v63  }
0x34: {  	s11 =	simm.s32 $0x3900  }
0x35: {  	[tilespmem:s11], [sflag:$0x1] =	stream.indirect_vreg.gather [hbm4b:s7+s3], $0x80, v3, vm0, $0xb8;
	[tilespmem:$0x18100] =	vst v63  }
0x36: {  	v3 =	vld [tilespmem:$0x10];
	_ =	sdelay $0x4  }
0x37: {  	v49 =	vshll.u32 v3, $0x3  }
0x38: {  	v3 =	vand.u32 $0x7, v3;
	v4 =	vand.u32 $0xFFFFFFC0, v49  }
0x39: {  	v3 =	vor.u32 v3, v4  }
0x3a: {  	v4 =	vperm.xlane v3, v0;
	_ =	sdelay $0x1  }
0x3b: {  	v4 =	vadd.s32 v1, v4;
	_ =	sdelay $0x4  }
0x3c: {  	[tilespmem:s26], [sflag:$0x2] =	stream.indirect_vreg.gather [hbm4b:s2+s3], $0x80, v4, vm0, $0xb8;
	[tilespmem:$0x18100] =	vst v63  }
0x3d: {  	s12 =	simm.s32 $0x4900;
	v3 =	vperm.xlane v3, v2  }
0x3e: {  	[tilespmem:s12], [sflag:$0x2] =	stream.indirect_vreg.gather [hbm4b:s5+s3], $0x80, v4, vm0, $0xb8;
	[tilespmem:$0x18100] =	vst v63  }
0x3f: {  	s11 =	simm.s32 $0x5100;
	v3 =	vadd.s32 v1, v3  }
0x40: {  	[tilespmem:s11], [sflag:$0x2] =	stream.indirect_vreg.gather [hbm4b:s6+s3], $0x80, v4, vm0, $0xb8;
	[tilespmem:$0x18100] =	vst v63  }
0x41: {  	s12 =	simm.s32 $0x5900  }
0x42: {  	[tilespmem:s12], [sflag:$0x2] =	stream.indirect_vreg.gather [hbm4b:s7+s3], $0x80, v4, vm0, $0xb8;
	[tilespmem:$0x18100] =	vst v63  }
0x43: {  	s11 =	simm.s32 $0x6100  }
0x44: {  	[tilespmem:s11], [sflag:$0x2] =	stream.indirect_vreg.gather [hbm4b:s2+s3], $0x80, v3, vm0, $0xb8;
	[tilespmem:$0x18100] =	vst v63  }
0x45: {  	s12 =	simm.s32 $0x6900  }
0x46: {  	[tilespmem:s12], [sflag:$0x2] =	stream.indirect_vreg.gather [hbm4b:s5+s3], $0x80, v3, vm0, $0xb8;
	[tilespmem:$0x18100] =	vst v63  }
0x47: {  	s11 =	simm.s32 $0x7100  }
0x48: {  	[tilespmem:s11], [sflag:$0x2] =	stream.indirect_vreg.gather [hbm4b:s6+s3], $0x80, v3, vm0, $0xb8;
	[tilespmem:$0x18100] =	vst v63  }
0x49: {  	s12 =	simm.s32 $0x7900  }
0x4a: {  	[tilespmem:s12], [sflag:$0x2] =	stream.indirect_vreg.gather [hbm4b:s7+s3], $0x80, v3, vm0, $0xb8;
	[tilespmem:$0x18100] =	vst v63  }
0x4b: {  	v3 =	vld [tilespmem:$0x20];
	_ =	sdelay $0x4  }
0x4c: {  	v50 =	vshll.u32 v3, $0x3  }
0x4d: {  	v3 =	vand.u32 $0x7, v3;
	v4 =	vand.u32 $0xFFFFFFC0, v50  }
0x4e: {  	v3 =	vor.u32 v3, v4  }
0x4f: {  	v4 =	vperm.xlane v3, v0;
	_ =	sdelay $0x1  }
0x50: {  	v4 =	vadd.s32 v1, v4;
	_ =	sdelay $0x4  }
0x51: {  	[tilespmem:s29], [sflag:$0x3] =	stream.indirect_vreg.gather [hbm4b:s2+s3], $0x80, v4, vm0, $0xb8;
	[tilespmem:$0x18100] =	vst v63  }
0x52: {  	s11 =	simm.s32 $0x8900;
	v3 =	vperm.xlane v3, v2  }
0x53: {  	[tilespmem:s11], [sflag:$0x3] =	stream.indirect_vreg.gather [hbm4b:s5+s3], $0x80, v4, vm0, $0xb8;
	[tilespmem:$0x18100] =	vst v63  }
0x54: {  	s12 =	simm.s32 $0x9100;
	v3 =	vadd.s32 v1, v3  }
0x55: {  	[tilespmem:s12], [sflag:$0x3] =	stream.indirect_vreg.gather [hbm4b:s6+s3], $0x80, v4, vm0, $0xb8;
	[tilespmem:$0x18100] =	vst v63  }
0x56: {  	s11 =	simm.s32 $0x9900  }
0x57: {  	[tilespmem:s11], [sflag:$0x3] =	stream.indirect_vreg.gather [hbm4b:s7+s3], $0x80, v4, vm0, $0xb8;
	[tilespmem:$0x18100] =	vst v63  }
0x58: {  	s12 =	simm.s32 $0xA100  }
0x59: {  	[tilespmem:s12], [sflag:$0x3] =	stream.indirect_vreg.gather [hbm4b:s2+s3], $0x80, v3, vm0, $0xb8;
	[tilespmem:$0x18100] =	vst v63  }
0x5a: {  	s11 =	simm.s32 $0xA900  }
0x5b: {  	[tilespmem:s11], [sflag:$0x3] =	stream.indirect_vreg.gather [hbm4b:s5+s3], $0x80, v3, vm0, $0xb8;
	[tilespmem:$0x18100] =	vst v63  }
0x5c: {  	s12 =	simm.s32 $0xB100  }
0x5d: {  	[tilespmem:s12], [sflag:$0x3] =	stream.indirect_vreg.gather [hbm4b:s6+s3], $0x80, v3, vm0, $0xb8;
	[tilespmem:$0x18100] =	vst v63  }
0x5e: {  	s11 =	simm.s32 $0xB900  }
0x5f: {  	[tilespmem:s11], [sflag:$0x3] =	stream.indirect_vreg.gather [hbm4b:s7+s3], $0x80, v3, vm0, $0xb8;
	[tilespmem:$0x18100] =	vst v63  }
0x60: {  	v3 =	vld [tilespmem:$0x30];
	_ =	sdelay $0x4  }
0x61: {  	v51 =	vshll.u32 v3, $0x3  }
0x62: {  	v3 =	vand.u32 $0x7, v3;
	v4 =	vand.u32 $0xFFFFFFC0, v51  }
0x63: {  	v3 =	vor.u32 v3, v4  }
0x64: {  	v4 =	vperm.xlane v3, v0;
	_ =	sdelay $0x1  }
0x65: {  	v4 =	vadd.s32 v1, v4;
	_ =	sdelay $0x4  }
0x66: {  	[tilespmem:s9], [sflag:$0x4] =	stream.indirect_vreg.gather [hbm4b:s2+s3], $0x80, v4, vm0, $0xb8;
	[tilespmem:$0x18100] =	vst v63  }
0x67: {  	s12 =	simm.s32 $0xC900;
	v3 =	vperm.xlane v3, v2  }
0x68: {  	[tilespmem:s12], [sflag:$0x4] =	stream.indirect_vreg.gather [hbm4b:s5+s3], $0x80, v4, vm0, $0xb8;
	[tilespmem:$0x18100] =	vst v63  }
0x69: {  	s11 =	simm.s32 $0xD100;
	v3 =	vadd.s32 v1, v3  }
0x6a: {  	[tilespmem:s11], [sflag:$0x4] =	stream.indirect_vreg.gather [hbm4b:s6+s3], $0x80, v4, vm0, $0xb8;
	[tilespmem:$0x18100] =	vst v63  }
0x6b: {  	s12 =	simm.s32 $0xD900  }
0x6c: {  	[tilespmem:s12], [sflag:$0x4] =	stream.indirect_vreg.gather [hbm4b:s7+s3], $0x80, v4, vm0, $0xb8;
	[tilespmem:$0x18100] =	vst v63  }
0x6d: {  	s11 =	simm.s32 $0xE100  }
0x6e: {  	[tilespmem:s11], [sflag:$0x4] =	stream.indirect_vreg.gather [hbm4b:s2+s3], $0x80, v3, vm0, $0xb8;
	[tilespmem:$0x18100] =	vst v63  }
0x6f: {  	s12 =	simm.s32 $0xE900  }
0x70: {  	[tilespmem:s12], [sflag:$0x4] =	stream.indirect_vreg.gather [hbm4b:s5+s3], $0x80, v3, vm0, $0xb8;
	[tilespmem:$0x18100] =	vst v63  }
0x71: {  	s11 =	simm.s32 $0xF100  }
0x72: {  	[tilespmem:s11], [sflag:$0x4] =	stream.indirect_vreg.gather [hbm4b:s6+s3], $0x80, v3, vm0, $0xb8;
	[tilespmem:$0x18100] =	vst v63  }
0x73: {  	s12 =	simm.s32 $0xF900  }
0x74: {  	[tilespmem:s12], [sflag:$0x4] =	stream.indirect_vreg.gather [hbm4b:s7+s3], $0x80, v3, vm0, $0xb8;
	[tilespmem:$0x18100] =	vst v63  }
0x75: {  	v3 =	vld [tilespmem:$0x40];
	_ =	sdelay $0x4  }
0x76: {  	v52 =	vshll.u32 v3, $0x3  }
0x77: {  	v3 =	vand.u32 $0x7, v3;
	v4 =	vand.u32 $0xFFFFFFC0, v52  }
0x78: {  	v3 =	vor.u32 v3, v4  }
0x79: {  	v4 =	vperm.xlane v3, v0;
	_ =	sdelay $0x1  }
0x7a: {  	v4 =	vadd.s32 v1, v4;
	_ =	sdelay $0x4  }
0x7b: {  	[tilespmem:s10], [sflag:$0x5] =	stream.indirect_vreg.gather [hbm4b:s2+s3], $0x80, v4, vm0, $0xb8;
	[tilespmem:$0x18100] =	vst v63  }
0x7c: {  	v3 =	vperm.xlane v3, v2  }
0x7d: {  	[tilespmem:s20], [sflag:$0x5] =	stream.indirect_vreg.gather [hbm4b:s5+s3], $0x80, v4, vm0, $0xb8;
	[tilespmem:$0x18100] =	vst v63  }
0x7e: {  	s12 =	simm.s32 $0x11100;
	v3 =	vadd.s32 v1, v3  }
0x7f: {  	[tilespmem:s12], [sflag:$0x5] =	stream.indirect_vreg.gather [hbm4b:s6+s3], $0x80, v4, vm0, $0xb8;
	[tilespmem:$0x18100] =	vst v63  }
0x80: {  	_ = 	snop  }
0x81: {  	[tilespmem:s13], [sflag:$0x5] =	stream.indirect_vreg.gather [hbm4b:s7+s3], $0x80, v4, vm0, $0xb8;
	[tilespmem:$0x18100] =	vst v63  }
0x82: {  	_ = 	snop  }
0x83: {  	[tilespmem:s14], [sflag:$0x5] =	stream.indirect_vreg.gather [hbm4b:s2+s3], $0x80, v3, vm0, $0xb8;
	[tilespmem:$0x18100] =	vst v63  }
0x84: {  	_ = 	snop  }
0x85: {  	[tilespmem:s15], [sflag:$0x5] =	stream.indirect_vreg.gather [hbm4b:s5+s3], $0x80, v3, vm0, $0xb8;
	[tilespmem:$0x18100] =	vst v63  }
0x86: {  	_ = 	snop  }
0x87: {  	[tilespmem:s16], [sflag:$0x5] =	stream.indirect_vreg.gather [hbm4b:s6+s3], $0x80, v3, vm0, $0xb8;
	[tilespmem:$0x18100] =	vst v63  }
0x88: {  	_ = 	snop  }
0x89: {  	[tilespmem:s17], [sflag:$0x5] =	stream.indirect_vreg.gather [hbm4b:s7+s3], $0x80, v3, vm0, $0xb8;
	[tilespmem:$0x18100] =	vst v63  }
0x8a: {  	v3 =	vld [tilespmem:$0x50];
	_ =	sdelay $0x4  }
0x8b: {  	v53 =	vshll.u32 v3, $0x3  }
0x8c: {  	v3 =	vand.u32 $0x7, v3;
	v4 =	vand.u32 $0xFFFFFFC0, v53  }
0x8d: {  	v3 =	vor.u32 v3, v4  }
0x8e: {  	v4 =	vperm.xlane v3, v0;
	_ =	sdelay $0x1  }
0x8f: {  	v4 =	vadd.s32 v1, v4;
	_ =	sdelay $0x4  }
0x90: {  	[tilespmem:s19], [sflag:$0x6] =	stream.indirect_vreg.gather [hbm4b:s2+s3], $0x80, v4, vm0, $0xb8;
	[tilespmem:$0x18100] =	vst v63  }
0x91: {  	s11 =	simm.s32 $0x14900;
	v3 =	vperm.xlane v3, v2  }
0x92: {  	[tilespmem:s11], [sflag:$0x6] =	stream.indirect_vreg.gather [hbm4b:s5+s3], $0x80, v4, vm0, $0xb8;
	[tilespmem:$0x18100] =	vst v63  }
0x93: {  	v3 =	vadd.s32 v1, v3;
	s11 =	simm.s32 $0x15100  }
0x94: {  	[tilespmem:s11], [sflag:$0x6] =	stream.indirect_vreg.gather [hbm4b:s6+s3], $0x80, v4, vm0, $0xb8;
	[tilespmem:$0x18100] =	vst v63  }
0x95: {  	s11 =	simm.s32 $0x15900  }
0x96: {  	[tilespmem:s11], [sflag:$0x6] =	stream.indirect_vreg.gather [hbm4b:s7+s3], $0x80, v4, vm0, $0xb8;
	[tilespmem:$0x18100] =	vst v63  }
0x97: {  	s11 =	simm.s32 $0x16100  }
0x98: {  	[tilespmem:s11], [sflag:$0x6] =	stream.indirect_vreg.gather [hbm4b:s2+s3], $0x80, v3, vm0, $0xb8;
	[tilespmem:$0x18100] =	vst v63  }
0x99: {  	s11 =	simm.s32 $0x16900  }
0x9a: {  	[tilespmem:s11], [sflag:$0x6] =	stream.indirect_vreg.gather [hbm4b:s5+s3], $0x80, v3, vm0, $0xb8;
	[tilespmem:$0x18100] =	vst v63  }
0x9b: {  	s11 =	simm.s32 $0x17100  }
0x9c: {  	[tilespmem:s11], [sflag:$0x6] =	stream.indirect_vreg.gather [hbm4b:s6+s3], $0x80, v3, vm0, $0xb8;
	[tilespmem:$0x18100] =	vst v63  }
0x9d: {  	s11 =	simm.s32 $0x17900  }
0x9e: {  	[tilespmem:s11], [sflag:$0x6] =	stream.indirect_vreg.gather [hbm4b:s7+s3], $0x80, v3, vm0, $0xb8;
	[tilespmem:$0x18100] =	vst v63  }
0x9f: {  	_ =	swait.ge [sflag:s31], $0x4000  }
0xa0: {  	[sflag:s31] =	ssyncset.done $0x0  }
0xa1: {  	s0 =	rddreg [dreg:$0x14];
	[sflag:s31] =	ssyncadd.s32 $0xFFFFC000  }
0xa2: {  	[hbm4b:s0+s3] =	stream.linear.scatter [tilespmem:s18], [sflag:$0x7], $0x4000, $0x38;
	[tilespmem:$0x18100] =	vst v63  }
0xa3: {  	_ =	swait.ge [sflag:s22], $0x4000  }
0xa4: {  	[sflag:s22] =	ssyncset.done $0x0  }
0xa5: {  	s0 =	rddreg [dreg:$0x5];
	[sflag:s22] =	ssyncadd.s32 $0xFFFFC000  }
0xa6: {  	[hbm4b:s0+s3] =	stream.linear.scatter [tilespmem:s26], [sflag:$0x8], $0x4000, $0x38;
	[tilespmem:$0x18100] =	vst v63  }
0xa7: {  	_ =	swait.ge [sflag:s23], $0x4000  }
0xa8: {  	[sflag:s23] =	ssyncset.done $0x0  }
0xa9: {  	s0 =	rddreg [dreg:$0x6];
	[sflag:s23] =	ssyncadd.s32 $0xFFFFC000  }
0xaa: {  	[hbm4b:s0+s3] =	stream.linear.scatter [tilespmem:s29], [sflag:$0x9], $0x4000, $0x38;
	[tilespmem:$0x18100] =	vst v63  }
0xab: {  	_ =	swait.ge [sflag:s24], $0x4000  }
0xac: {  	[sflag:s24] =	ssyncset.done $0x0  }
0xad: {  	[sflag:s24] =	ssyncadd.s32 $0xFFFFC000  }
0xae: {  	v3 =	vld [tilespmem:$0x60];
	_ =	sdelay $0x4  }
0xaf: {  	v54 =	vshll.u32 v3, $0x3  }
0xb0: {  	v3 =	vand.u32 $0x7, v3;
	v4 =	vand.u32 $0xFFFFFFC0, v54  }
0xb1: {  	v3 =	vor.u32 v3, v4  }
0xb2: {  	v4 =	vperm.xlane v3, v0;
	_ =	sdelay $0x1  }
0xb3: {  	v4 =	vadd.s32 v1, v4;
	_ =	sdelay $0x4  }
0xb4: {  	[tilespmem:s18], [sflag:$0x1] =	stream.indirect_vreg.gather [hbm4b:s2+s3], $0x80, v4, vm0, $0xb8;
	[tilespmem:$0x18100] =	vst v63  }
0xb5: {  	s4 =	simm.s32 $0x900;
	v3 =	vperm.xlane v3, v2  }
0xb6: {  	[tilespmem:s4], [sflag:$0x1] =	stream.indirect_vreg.gather [hbm4b:s5+s3], $0x80, v4, vm0, $0xb8;
	[tilespmem:$0x18100] =	vst v63  }
0xb7: {  	s11 =	simm.s32 $0x1100;
	v3 =	vadd.s32 v1, v3  }
0xb8: {  	[tilespmem:s11], [sflag:$0x1] =	stream.indirect_vreg.gather [hbm4b:s6+s3], $0x80, v4, vm0, $0xb8;
	[tilespmem:$0x18100] =	vst v63  }
0xb9: {  	s4 =	simm.s32 $0x1900  }
0xba: {  	[tilespmem:s4], [sflag:$0x1] =	stream.indirect_vreg.gather [hbm4b:s7+s3], $0x80, v4, vm0, $0xb8;
	[tilespmem:$0x18100] =	vst v63  }
0xbb: {  	s11 =	simm.s32 $0x2100  }
0xbc: {  	[tilespmem:s11], [sflag:$0x1] =	stream.indirect_vreg.gather [hbm4b:s2+s3], $0x80, v3, vm0, $0xb8;
	[tilespmem:$0x18100] =	vst v63  }
0xbd: {  	s4 =	simm.s32 $0x2900  }
0xbe: {  	[tilespmem:s4], [sflag:$0x1] =	stream.indirect_vreg.gather [hbm4b:s5+s3], $0x80, v3, vm0, $0xb8;
	[tilespmem:$0x18100] =	vst v63  }
0xbf: {  	s11 =	simm.s32 $0x3100  }
0xc0: {  	[tilespmem:s11], [sflag:$0x1] =	stream.indirect_vreg.gather [hbm4b:s6+s3], $0x80, v3, vm0, $0xb8;
	[tilespmem:$0x18100] =	vst v63  }
0xc1: {  	s21 =	simm.s32 $0x3900  }
0xc2: {  	[tilespmem:s21], [sflag:$0x1] =	stream.indirect_vreg.gather [hbm4b:s7+s3], $0x80, v3, vm0, $0xb8;
	[tilespmem:$0x18100] =	vst v63  }
0xc3: {  	_ =	swait.ge [sflag:s25], $0x4000  }
0xc4: {  	[sflag:s25] =	ssyncset.done $0x0  }
0xc5: {  	s4 =	rddreg [dreg:$0x7];
	[sflag:s25] =	ssyncadd.s32 $0xFFFFC000  }
0xc6: {  	[hbm4b:s4+s3] =	stream.linear.scatter [tilespmem:s9], [sflag:$0xA], $0x4000, $0x38;
	[tilespmem:$0x18100] =	vst v63  }
0xc7: {  	_ =	swait.ge [sflag:s28], $0x4000  }
0xc8: {  	[sflag:s28] =	ssyncset.done $0x0  }
0xc9: {  	[sflag:s28] =	ssyncadd.s32 $0xFFFFC000  }
0xca: {  	v3 =	vld [tilespmem:$0x70];
	_ =	sdelay $0x4  }
0xcb: {  	v55 =	vshll.u32 v3, $0x3  }
0xcc: {  	v3 =	vand.u32 $0x7, v3;
	v4 =	vand.u32 $0xFFFFFFC0, v55  }
0xcd: {  	v3 =	vor.u32 v3, v4  }
0xce: {  	v4 =	vperm.xlane v3, v0;
	_ =	sdelay $0x1  }
0xcf: {  	v4 =	vadd.s32 v1, v4;
	_ =	sdelay $0x4  }
0xd0: {  	[tilespmem:s26], [sflag:$0x2] =	stream.indirect_vreg.gather [hbm4b:s2+s3], $0x80, v4, vm0, $0xb8;
	[tilespmem:$0x18100] =	vst v63  }
0xd1: {  	s21 =	simm.s32 $0x4900;
	v3 =	vperm.xlane v3, v2  }
0xd2: {  	[tilespmem:s21], [sflag:$0x2] =	stream.indirect_vreg.gather [hbm4b:s5+s3], $0x80, v4, vm0, $0xb8;
	[tilespmem:$0x18100] =	vst v63  }
0xd3: {  	s4 =	simm.s32 $0x5100;
	v3 =	vadd.s32 v1, v3  }
0xd4: {  	[tilespmem:s4], [sflag:$0x2] =	stream.indirect_vreg.gather [hbm4b:s6+s3], $0x80, v4, vm0, $0xb8;
	[tilespmem:$0x18100] =	vst v63  }
0xd5: {  	s11 =	simm.s32 $0x5900  }
0xd6: {  	[tilespmem:s11], [sflag:$0x2] =	stream.indirect_vreg.gather [hbm4b:s7+s3], $0x80, v4, vm0, $0xb8;
	[tilespmem:$0x18100] =	vst v63  }
0xd7: {  	s21 =	simm.s32 $0x6100  }
0xd8: {  	[tilespmem:s21], [sflag:$0x2] =	stream.indirect_vreg.gather [hbm4b:s2+s3], $0x80, v3, vm0, $0xb8;
	[tilespmem:$0x18100] =	vst v63  }
0xd9: {  	s4 =	simm.s32 $0x6900  }
0xda: {  	[tilespmem:s4], [sflag:$0x2] =	stream.indirect_vreg.gather [hbm4b:s5+s3], $0x80, v3, vm0, $0xb8;
	[tilespmem:$0x18100] =	vst v63  }
0xdb: {  	s11 =	simm.s32 $0x7100  }
0xdc: {  	[tilespmem:s11], [sflag:$0x2] =	stream.indirect_vreg.gather [hbm4b:s6+s3], $0x80, v3, vm0, $0xb8;
	[tilespmem:$0x18100] =	vst v63  }
0xdd: {  	s0 =	simm.s32 $0x5;
	s21 =	simm.s32 $0x7900  }
0xde: {  	[tilespmem:s21], [sflag:$0x2] =	stream.indirect_vreg.gather [hbm4b:s7+s3], $0x80, v3, vm0, $0xb8;
	[tilespmem:$0x18100] =	vst v63  }
0xdf: {  	_ =	swait.ge [sflag:s0], $0x4000  }
0xe0: {  	[sflag:s0] =	ssyncset.done $0x0  }
0xe1: {  	s4 =	rddreg [dreg:$0x8];
	[sflag:s0] =	ssyncadd.s32 $0xFFFFC000  }
0xe2: {  	[hbm4b:s4+s3] =	stream.linear.scatter [tilespmem:s10], [sflag:$0xB], $0x4000, $0x38;
	[tilespmem:$0x18100] =	vst v63  }
0xe3: {  	_ =	swait.ge [sflag:s30], $0x4000  }
0xe4: {  	[sflag:s30] =	ssyncset.done $0x0  }
0xe5: {  	[sflag:s30] =	ssyncadd.s32 $0xFFFFC000  }
0xe6: {  	v3 =	vld [tilespmem:$0x80];
	_ =	sdelay $0x4  }
0xe7: {  	v56 =	vshll.u32 v3, $0x3  }
0xe8: {  	v3 =	vand.u32 $0x7, v3;
	v4 =	vand.u32 $0xFFFFFFC0, v56  }
0xe9: {  	v3 =	vor.u32 v3, v4  }
0xea: {  	v4 =	vperm.xlane v3, v0;
	_ =	sdelay $0x1  }
0xeb: {  	v4 =	vadd.s32 v1, v4;
	_ =	sdelay $0x4  }
0xec: {  	[tilespmem:s29], [sflag:$0x3] =	stream.indirect_vreg.gather [hbm4b:s2+s3], $0x80, v4, vm0, $0xb8;
	[tilespmem:$0x18100] =	vst v63  }
0xed: {  	s21 =	simm.s32 $0x8900;
	v3 =	vperm.xlane v3, v2  }
0xee: {  	[tilespmem:s21], [sflag:$0x3] =	stream.indirect_vreg.gather [hbm4b:s5+s3], $0x80, v4, vm0, $0xb8;
	[tilespmem:$0x18100] =	vst v63  }
0xef: {  	s11 =	simm.s32 $0x9100;
	v3 =	vadd.s32 v1, v3  }
0xf0: {  	[tilespmem:s11], [sflag:$0x3] =	stream.indirect_vreg.gather [hbm4b:s6+s3], $0x80, v4, vm0, $0xb8;
	[tilespmem:$0x18100] =	vst v63  }
0xf1: {  	s21 =	simm.s32 $0x9900  }
0xf2: {  	[tilespmem:s21], [sflag:$0x3] =	stream.indirect_vreg.gather [hbm4b:s7+s3], $0x80, v4, vm0, $0xb8;
	[tilespmem:$0x18100] =	vst v63  }
0xf3: {  	s11 =	simm.s32 $0xA100  }
0xf4: {  	[tilespmem:s11], [sflag:$0x3] =	stream.indirect_vreg.gather [hbm4b:s2+s3], $0x80, v3, vm0, $0xb8;
	[tilespmem:$0x18100] =	vst v63  }
0xf5: {  	s21 =	simm.s32 $0xA900  }
0xf6: {  	[tilespmem:s21], [sflag:$0x3] =	stream.indirect_vreg.gather [hbm4b:s5+s3], $0x80, v3, vm0, $0xb8;
	[tilespmem:$0x18100] =	vst v63  }
0xf7: {  	s11 =	simm.s32 $0xB100  }
0xf8: {  	[tilespmem:s11], [sflag:$0x3] =	stream.indirect_vreg.gather [hbm4b:s6+s3], $0x80, v3, vm0, $0xb8;
	[tilespmem:$0x18100] =	vst v63  }
0xf9: {  	s21 =	simm.s32 $0xB900  }
0xfa: {  	[tilespmem:s21], [sflag:$0x3] =	stream.indirect_vreg.gather [hbm4b:s7+s3], $0x80, v3, vm0, $0xb8;
	[tilespmem:$0x18100] =	vst v63  }
0xfb: {  	s21 =	simm.s32 $0x6  }
0xfc: {  	_ =	swait.ge [sflag:s21], $0x4000  }
0xfd: {  	[sflag:s21] =	ssyncset.done $0x0  }
0xfe: {  	s4 =	rddreg [dreg:$0x9];
	[sflag:s21] =	ssyncadd.s32 $0xFFFFC000  }
0xff: {  	[hbm4b:s4+s3] =	stream.linear.scatter [tilespmem:s19], [sflag:$0xC], $0x4000, $0x38;
	[tilespmem:$0x18100] =	vst v63  }
0x100: {  	_ =	swait.ge [sflag:s1], $0x4000  }
0x101: {  	[sflag:s1] =	ssyncset.done $0x0  }
0x102: {  	[sflag:s1] =	ssyncadd.s32 $0xFFFFC000  }
0x103: {  	v3 =	vld [tilespmem:$0x90];
	_ =	sdelay $0x4  }
0x104: {  	v57 =	vshll.u32 v3, $0x3  }
0x105: {  	v3 =	vand.u32 $0x7, v3;
	v4 =	vand.u32 $0xFFFFFFC0, v57  }
0x106: {  	v3 =	vor.u32 v3, v4  }
0x107: {  	v4 =	vperm.xlane v3, v0;
	_ =	sdelay $0x1  }
0x108: {  	v4 =	vadd.s32 v1, v4;
	_ =	sdelay $0x4  }
0x109: {  	[tilespmem:s9], [sflag:$0x4] =	stream.indirect_vreg.gather [hbm4b:s2+s3], $0x80, v4, vm0, $0xb8;
	[tilespmem:$0x18100] =	vst v63  }
0x10a: {  	s11 =	simm.s32 $0xC900;
	v3 =	vperm.xlane v3, v2  }
0x10b: {  	[tilespmem:s11], [sflag:$0x4] =	stream.indirect_vreg.gather [hbm4b:s5+s3], $0x80, v4, vm0, $0xb8;
	[tilespmem:$0x18100] =	vst v63  }
0x10c: {  	v3 =	vadd.s32 v1, v3;
	s11 =	simm.s32 $0xD100  }
0x10d: {  	[tilespmem:s11], [sflag:$0x4] =	stream.indirect_vreg.gather [hbm4b:s6+s3], $0x80, v4, vm0, $0xb8;
	[tilespmem:$0x18100] =	vst v63  }
0x10e: {  	s11 =	simm.s32 $0xD900  }
0x10f: {  	[tilespmem:s11], [sflag:$0x4] =	stream.indirect_vreg.gather [hbm4b:s7+s3], $0x80, v4, vm0, $0xb8;
	[tilespmem:$0x18100] =	vst v63  }
0x110: {  	s11 =	simm.s32 $0xE100  }
0x111: {  	[tilespmem:s11], [sflag:$0x4] =	stream.indirect_vreg.gather [hbm4b:s2+s3], $0x80, v3, vm0, $0xb8;
	[tilespmem:$0x18100] =	vst v63  }
0x112: {  	s11 =	simm.s32 $0xE900  }
0x113: {  	[tilespmem:s11], [sflag:$0x4] =	stream.indirect_vreg.gather [hbm4b:s5+s3], $0x80, v3, vm0, $0xb8;
	[tilespmem:$0x18100] =	vst v63  }
0x114: {  	s11 =	simm.s32 $0xF100  }
0x115: {  	[tilespmem:s11], [sflag:$0x4] =	stream.indirect_vreg.gather [hbm4b:s6+s3], $0x80, v3, vm0, $0xb8;
	[tilespmem:$0x18100] =	vst v63  }
0x116: {  	s11 =	simm.s32 $0xF900  }
0x117: {  	[tilespmem:s11], [sflag:$0x4] =	stream.indirect_vreg.gather [hbm4b:s7+s3], $0x80, v3, vm0, $0xb8;
	[tilespmem:$0x18100] =	vst v63  }
0x118: {  	_ =	swait.ge [sflag:s31], $0x4000  }
0x119: {  	[sflag:s31] =	ssyncset.done $0x0  }
0x11a: {  	s4 =	rddreg [dreg:$0xa];
	[sflag:s31] =	ssyncadd.s32 $0xFFFFC000  }
0x11b: {  	[hbm4b:s4+s3] =	stream.linear.scatter [tilespmem:s18], [sflag:$0x7], $0x4000, $0x38;
	[tilespmem:$0x18100] =	vst v63  }
0x11c: {  	s4 =	simm.s32 $0xB  }
0x11d: {  	_ =	swait.ge [sflag:s4], $0x4000  }
0x11e: {  	[sflag:s4] =	ssyncset.done $0x0  }
0x11f: {  	[sflag:s4] =	ssyncadd.s32 $0xFFFFC000  }
0x120: {  	v3 =	vld [tilespmem:$0xA0];
	_ =	sdelay $0x4  }
0x121: {  	v58 =	vshll.u32 v3, $0x3  }
0x122: {  	v3 =	vand.u32 $0x7, v3;
	v4 =	vand.u32 $0xFFFFFFC0, v58  }
0x123: {  	v3 =	vor.u32 v3, v4  }
0x124: {  	v4 =	vperm.xlane v3, v0;
	_ =	sdelay $0x1  }
0x125: {  	v4 =	vadd.s32 v1, v4;
	_ =	sdelay $0x4  }
0x126: {  	[tilespmem:s10], [sflag:$0x5] =	stream.indirect_vreg.gather [hbm4b:s2+s3], $0x80, v4, vm0, $0xb8;
	[tilespmem:$0x18100] =	vst v63  }
0x127: {  	v3 =	vperm.xlane v3, v2  }
0x128: {  	[tilespmem:s20], [sflag:$0x5] =	stream.indirect_vreg.gather [hbm4b:s5+s3], $0x80, v4, vm0, $0xb8;
	[tilespmem:$0x18100] =	vst v63  }
0x129: {  	v3 =	vadd.s32 v1, v3  }
0x12a: {  	[tilespmem:s12], [sflag:$0x5] =	stream.indirect_vreg.gather [hbm4b:s6+s3], $0x80, v4, vm0, $0xb8;
	[tilespmem:$0x18100] =	vst v63  }
0x12b: {  	_ = 	snop  }
0x12c: {  	[tilespmem:s13], [sflag:$0x5] =	stream.indirect_vreg.gather [hbm4b:s7+s3], $0x80, v4, vm0, $0xb8;
	[tilespmem:$0x18100] =	vst v63  }
0x12d: {  	_ = 	snop  }
0x12e: {  	[tilespmem:s14], [sflag:$0x5] =	stream.indirect_vreg.gather [hbm4b:s2+s3], $0x80, v3, vm0, $0xb8;
	[tilespmem:$0x18100] =	vst v63  }
0x12f: {  	_ = 	snop  }
0x130: {  	[tilespmem:s15], [sflag:$0x5] =	stream.indirect_vreg.gather [hbm4b:s5+s3], $0x80, v3, vm0, $0xb8;
	[tilespmem:$0x18100] =	vst v63  }
0x131: {  	_ = 	snop  }
0x132: {  	[tilespmem:s16], [sflag:$0x5] =	stream.indirect_vreg.gather [hbm4b:s6+s3], $0x80, v3, vm0, $0xb8;
	[tilespmem:$0x18100] =	vst v63  }
0x133: {  	_ = 	snop  }
0x134: {  	[tilespmem:s17], [sflag:$0x5] =	stream.indirect_vreg.gather [hbm4b:s7+s3], $0x80, v3, vm0, $0xb8;
	[tilespmem:$0x18100] =	vst v63  }
0x135: {  	_ =	swait.ge [sflag:s22], $0x4000  }
0x136: {  	[sflag:s22] =	ssyncset.done $0x0  }
0x137: {  	s12 =	rddreg [dreg:$0xb];
	[sflag:s22] =	ssyncadd.s32 $0xFFFFC000  }
0x138: {  	[hbm4b:s12+s3] =	stream.linear.scatter [tilespmem:s26], [sflag:$0x8], $0x4000, $0x38;
	[tilespmem:$0x18100] =	vst v63  }
0x139: {  	s12 =	simm.s32 $0xC  }
0x13a: {  	_ =	swait.ge [sflag:s12], $0x4000  }
0x13b: {  	[sflag:s12] =	ssyncset.done $0x0  }
0x13c: {  	[sflag:s12] =	ssyncadd.s32 $0xFFFFC000  }
0x13d: {  	v3 =	vld [tilespmem:$0xB0];
	_ =	sdelay $0x4  }
0x13e: {  	v59 =	vshll.u32 v3, $0x3  }
0x13f: {  	v3 =	vand.u32 $0x7, v3;
	v4 =	vand.u32 $0xFFFFFFC0, v59  }
0x140: {  	v3 =	vor.u32 v3, v4  }
0x141: {  	v4 =	vperm.xlane v3, v0;
	_ =	sdelay $0x1  }
0x142: {  	v4 =	vadd.s32 v1, v4;
	_ =	sdelay $0x4  }
0x143: {  	[tilespmem:s19], [sflag:$0x6] =	stream.indirect_vreg.gather [hbm4b:s2+s3], $0x80, v4, vm0, $0xb8;
	[tilespmem:$0x18100] =	vst v63  }
0x144: {  	s11 =	simm.s32 $0x14900;
	v3 =	vperm.xlane v3, v2  }
0x145: {  	[tilespmem:s11], [sflag:$0x6] =	stream.indirect_vreg.gather [hbm4b:s5+s3], $0x80, v4, vm0, $0xb8;
	[tilespmem:$0x18100] =	vst v63  }
0x146: {  	v3 =	vadd.s32 v1, v3;
	s11 =	simm.s32 $0x15100  }
0x147: {  	[tilespmem:s11], [sflag:$0x6] =	stream.indirect_vreg.gather [hbm4b:s6+s3], $0x80, v4, vm0, $0xb8;
	[tilespmem:$0x18100] =	vst v63  }
0x148: {  	s11 =	simm.s32 $0x15900  }
0x149: {  	[tilespmem:s11], [sflag:$0x6] =	stream.indirect_vreg.gather [hbm4b:s7+s3], $0x80, v4, vm0, $0xb8;
	[tilespmem:$0x18100] =	vst v63  }
0x14a: {  	s11 =	simm.s32 $0x16100  }
0x14b: {  	[tilespmem:s11], [sflag:$0x6] =	stream.indirect_vreg.gather [hbm4b:s2+s3], $0x80, v3, vm0, $0xb8;
	[tilespmem:$0x18100] =	vst v63  }
0x14c: {  	s11 =	simm.s32 $0x16900  }
0x14d: {  	[tilespmem:s11], [sflag:$0x6] =	stream.indirect_vreg.gather [hbm4b:s5+s3], $0x80, v3, vm0, $0xb8;
	[tilespmem:$0x18100] =	vst v63  }
0x14e: {  	s11 =	simm.s32 $0x17100  }
0x14f: {  	[tilespmem:s11], [sflag:$0x6] =	stream.indirect_vreg.gather [hbm4b:s6+s3], $0x80, v3, vm0, $0xb8;
	[tilespmem:$0x18100] =	vst v63  }
0x150: {  	s11 =	simm.s32 $0x17900  }
0x151: {  	[tilespmem:s11], [sflag:$0x6] =	stream.indirect_vreg.gather [hbm4b:s7+s3], $0x80, v3, vm0, $0xb8;
	[tilespmem:$0x18100] =	vst v63  }
0x152: {  	_ =	swait.ge [sflag:s23], $0x4000  }
0x153: {  	[sflag:s23] =	ssyncset.done $0x0  }
0x154: {  	s11 =	rddreg [dreg:$0xc];
	[sflag:s23] =	ssyncadd.s32 $0xFFFFC000  }
0x155: {  	[hbm4b:s11+s3] =	stream.linear.scatter [tilespmem:s29], [sflag:$0x9], $0x4000, $0x38;
	[tilespmem:$0x18100] =	vst v63  }
0x156: {  	_ =	swait.ge [sflag:s24], $0x4000  }
0x157: {  	[sflag:s24] =	ssyncset.done $0x0  }
0x158: {  	[sflag:s24] =	ssyncadd.s32 $0xFFFFC000  }
0x159: {  	v3 =	vld [tilespmem:$0xC0];
	_ =	sdelay $0x4  }
0x15a: {  	v60 =	vshll.u32 v3, $0x3  }
0x15b: {  	v3 =	vand.u32 $0x7, v3;
	v4 =	vand.u32 $0xFFFFFFC0, v60  }
0x15c: {  	v3 =	vor.u32 v3, v4  }
0x15d: {  	v4 =	vperm.xlane v3, v0;
	_ =	sdelay $0x1  }
0x15e: {  	v4 =	vadd.s32 v1, v4;
	_ =	sdelay $0x4  }
0x15f: {  	[tilespmem:s18], [sflag:$0x1] =	stream.indirect_vreg.gather [hbm4b:s2+s3], $0x80, v4, vm0, $0xb8;
	[tilespmem:$0x18100] =	vst v63  }
0x160: {  	s11 =	simm.s32 $0x900;
	v3 =	vperm.xlane v3, v2  }
0x161: {  	[tilespmem:s11], [sflag:$0x1] =	stream.indirect_vreg.gather [hbm4b:s5+s3], $0x80, v4, vm0, $0xb8;
	[tilespmem:$0x18100] =	vst v63  }
0x162: {  	v3 =	vadd.s32 v1, v3;
	s11 =	simm.s32 $0x1100  }
0x163: {  	[tilespmem:s11], [sflag:$0x1] =	stream.indirect_vreg.gather [hbm4b:s6+s3], $0x80, v4, vm0, $0xb8;
	[tilespmem:$0x18100] =	vst v63  }
0x164: {  	s11 =	simm.s32 $0x1900  }
0x165: {  	[tilespmem:s11], [sflag:$0x1] =	stream.indirect_vreg.gather [hbm4b:s7+s3], $0x80, v4, vm0, $0xb8;
	[tilespmem:$0x18100] =	vst v63  }
0x166: {  	s11 =	simm.s32 $0x2100  }
0x167: {  	[tilespmem:s11], [sflag:$0x1] =	stream.indirect_vreg.gather [hbm4b:s2+s3], $0x80, v3, vm0, $0xb8;
	[tilespmem:$0x18100] =	vst v63  }
0x168: {  	s11 =	simm.s32 $0x2900  }
0x169: {  	[tilespmem:s11], [sflag:$0x1] =	stream.indirect_vreg.gather [hbm4b:s5+s3], $0x80, v3, vm0, $0xb8;
	[tilespmem:$0x18100] =	vst v63  }
0x16a: {  	s11 =	simm.s32 $0x3100  }
0x16b: {  	[tilespmem:s11], [sflag:$0x1] =	stream.indirect_vreg.gather [hbm4b:s6+s3], $0x80, v3, vm0, $0xb8;
	[tilespmem:$0x18100] =	vst v63  }
0x16c: {  	s11 =	simm.s32 $0x3900  }
0x16d: {  	[tilespmem:s11], [sflag:$0x1] =	stream.indirect_vreg.gather [hbm4b:s7+s3], $0x80, v3, vm0, $0xb8;
	[tilespmem:$0x18100] =	vst v63  }
0x16e: {  	_ =	swait.ge [sflag:s25], $0x4000  }
0x16f: {  	[sflag:s25] =	ssyncset.done $0x0  }
0x170: {  	s11 =	rddreg [dreg:$0xd];
	[sflag:s25] =	ssyncadd.s32 $0xFFFFC000  }
0x171: {  	[hbm4b:s11+s3] =	stream.linear.scatter [tilespmem:s9], [sflag:$0xA], $0x4000, $0x38;
	[tilespmem:$0x18100] =	vst v63  }
0x172: {  	_ =	swait.ge [sflag:s28], $0x4000  }
0x173: {  	[sflag:s28] =	ssyncset.done $0x0  }
0x174: {  	[sflag:s28] =	ssyncadd.s32 $0xFFFFC000  }
0x175: {  	v3 =	vld [tilespmem:$0xD0];
	_ =	sdelay $0x4  }
0x176: {  	v61 =	vshll.u32 v3, $0x3  }
0x177: {  	v3 =	vand.u32 $0x7, v3;
	v4 =	vand.u32 $0xFFFFFFC0, v61  }
0x178: {  	v3 =	vor.u32 v3, v4  }
0x179: {  	v4 =	vperm.xlane v3, v0;
	_ =	sdelay $0x1  }
0x17a: {  	v4 =	vadd.s32 v1, v4;
	_ =	sdelay $0x4  }
0x17b: {  	[tilespmem:s26], [sflag:$0x2] =	stream.indirect_vreg.gather [hbm4b:s2+s3], $0x80, v4, vm0, $0xb8;
	[tilespmem:$0x18100] =	vst v63  }
0x17c: {  	s11 =	simm.s32 $0x4900;
	v3 =	vperm.xlane v3, v2  }
0x17d: {  	[tilespmem:s11], [sflag:$0x2] =	stream.indirect_vreg.gather [hbm4b:s5+s3], $0x80, v4, vm0, $0xb8;
	[tilespmem:$0x18100] =	vst v63  }
0x17e: {  	v3 =	vadd.s32 v1, v3;
	s11 =	simm.s32 $0x5100  }
0x17f: {  	[tilespmem:s11], [sflag:$0x2] =	stream.indirect_vreg.gather [hbm4b:s6+s3], $0x80, v4, vm0, $0xb8;
	[tilespmem:$0x18100] =	vst v63  }
0x180: {  	s11 =	simm.s32 $0x5900  }
0x181: {  	[tilespmem:s11], [sflag:$0x2] =	stream.indirect_vreg.gather [hbm4b:s7+s3], $0x80, v4, vm0, $0xb8;
	[tilespmem:$0x18100] =	vst v63  }
0x182: {  	s11 =	simm.s32 $0x6100  }
0x183: {  	[tilespmem:s11], [sflag:$0x2] =	stream.indirect_vreg.gather [hbm4b:s2+s3], $0x80, v3, vm0, $0xb8;
	[tilespmem:$0x18100] =	vst v63  }
0x184: {  	s11 =	simm.s32 $0x6900  }
0x185: {  	[tilespmem:s11], [sflag:$0x2] =	stream.indirect_vreg.gather [hbm4b:s5+s3], $0x80, v3, vm0, $0xb8;
	[tilespmem:$0x18100] =	vst v63  }
0x186: {  	s11 =	simm.s32 $0x7100  }
0x187: {  	[tilespmem:s11], [sflag:$0x2] =	stream.indirect_vreg.gather [hbm4b:s6+s3], $0x80, v3, vm0, $0xb8;
	[tilespmem:$0x18100] =	vst v63  }
0x188: {  	s11 =	simm.s32 $0x7900  }
0x189: {  	[tilespmem:s11], [sflag:$0x2] =	stream.indirect_vreg.gather [hbm4b:s7+s3], $0x80, v3, vm0, $0xb8;
	[tilespmem:$0x18100] =	vst v63  }
0x18a: {  	_ =	swait.ge [sflag:s0], $0x4000  }
0x18b: {  	[sflag:s0] =	ssyncset.done $0x0  }
0x18c: {  	s11 =	rddreg [dreg:$0xe];
	[sflag:s0] =	ssyncadd.s32 $0xFFFFC000  }
0x18d: {  	[hbm4b:s11+s3] =	stream.linear.scatter [tilespmem:s10], [sflag:$0xB], $0x4000, $0x38;
	[tilespmem:$0x18100] =	vst v63  }
0x18e: {  	_ =	swait.ge [sflag:s30], $0x4000  }
0x18f: {  	[sflag:s30] =	ssyncset.done $0x0  }
0x190: {  	[sflag:s30] =	ssyncadd.s32 $0xFFFFC000  }
0x191: {  	v3 =	vld [tilespmem:$0xE0];
	_ =	sdelay $0x4  }
0x192: {  	v62 =	vshll.u32 v3, $0x3  }
0x193: {  	v3 =	vand.u32 $0x7, v3;
	v4 =	vand.u32 $0xFFFFFFC0, v62  }
0x194: {  	v3 =	vor.u32 v3, v4  }
0x195: {  	v4 =	vperm.xlane v3, v0;
	_ =	sdelay $0x1  }
0x196: {  	v4 =	vadd.s32 v1, v4;
	_ =	sdelay $0x4  }
0x197: {  	[tilespmem:s29], [sflag:$0x3] =	stream.indirect_vreg.gather [hbm4b:s2+s3], $0x80, v4, vm0, $0xb8;
	[tilespmem:$0x18100] =	vst v63  }
0x198: {  	s11 =	simm.s32 $0x8900;
	v3 =	vperm.xlane v3, v2  }
0x199: {  	[tilespmem:s11], [sflag:$0x3] =	stream.indirect_vreg.gather [hbm4b:s5+s3], $0x80, v4, vm0, $0xb8;
	[tilespmem:$0x18100] =	vst v63  }
0x19a: {  	v3 =	vadd.s32 v1, v3;
	s11 =	simm.s32 $0x9100  }
0x19b: {  	[tilespmem:s11], [sflag:$0x3] =	stream.indirect_vreg.gather [hbm4b:s6+s3], $0x80, v4, vm0, $0xb8;
	[tilespmem:$0x18100] =	vst v63  }
0x19c: {  	s11 =	simm.s32 $0x9900  }
0x19d: {  	[tilespmem:s11], [sflag:$0x3] =	stream.indirect_vreg.gather [hbm4b:s7+s3], $0x80, v4, vm0, $0xb8;
	[tilespmem:$0x18100] =	vst v63  }
0x19e: {  	s11 =	simm.s32 $0xA100  }
0x19f: {  	[tilespmem:s11], [sflag:$0x3] =	stream.indirect_vreg.gather [hbm4b:s2+s3], $0x80, v3, vm0, $0xb8;
	[tilespmem:$0x18100] =	vst v63  }
0x1a0: {  	s11 =	simm.s32 $0xA900  }
0x1a1: {  	[tilespmem:s11], [sflag:$0x3] =	stream.indirect_vreg.gather [hbm4b:s5+s3], $0x80, v3, vm0, $0xb8;
	[tilespmem:$0x18100] =	vst v63  }
0x1a2: {  	s11 =	simm.s32 $0xB100  }
0x1a3: {  	[tilespmem:s11], [sflag:$0x3] =	stream.indirect_vreg.gather [hbm4b:s6+s3], $0x80, v3, vm0, $0xb8;
	[tilespmem:$0x18100] =	vst v63  }
0x1a4: {  	s11 =	simm.s32 $0xB900  }
0x1a5: {  	[tilespmem:s11], [sflag:$0x3] =	stream.indirect_vreg.gather [hbm4b:s7+s3], $0x80, v3, vm0, $0xb8;
	[tilespmem:$0x18100] =	vst v63  }
0x1a6: {  	_ =	swait.ge [sflag:s21], $0x4000  }
0x1a7: {  	[sflag:s21] =	ssyncset.done $0x0  }
0x1a8: {  	s0 =	rddreg [dreg:$0xf];
	[sflag:s21] =	ssyncadd.s32 $0xFFFFC000  }
0x1a9: {  	[hbm4b:s0+s3] =	stream.linear.scatter [tilespmem:s19], [sflag:$0xC], $0x4000, $0x38;
	[tilespmem:$0x18100] =	vst v63  }
0x1aa: {  	_ =	swait.ge [sflag:s1], $0x4000  }
0x1ab: {  	[sflag:s1] =	ssyncset.done $0x0  }
0x1ac: {  	[sflag:s1] =	ssyncadd.s32 $0xFFFFC000  }
0x1ad: {  	v3 =	vld [tilespmem:$0xF0];
	_ =	sdelay $0x4  }
0x1ae: {  	v63 =	vshll.u32 v3, $0x3  }
0x1af: {  	v3 =	vand.u32 $0x7, v3;
	v4 =	vand.u32 $0xFFFFFFC0, v63  }
0x1b0: {  	v3 =	vor.u32 v3, v4  }
0x1b1: {  	v4 =	vperm.xlane v3, v0;
	_ =	sdelay $0x1  }
0x1b2: {  	v4 =	vadd.s32 v1, v4;
	_ =	sdelay $0x4  }
0x1b3: {  	[tilespmem:s9], [sflag:$0x4] =	stream.indirect_vreg.gather [hbm4b:s2+s3], $0x80, v4, vm0, $0xb8;
	[tilespmem:$0x18100] =	vst v63  }
0x1b4: {  	s21 =	simm.s32 $0xC900;
	v3 =	vperm.xlane v3, v2  }
0x1b5: {  	[tilespmem:s21], [sflag:$0x4] =	stream.indirect_vreg.gather [hbm4b:s5+s3], $0x80, v4, vm0, $0xb8;
	[tilespmem:$0x18100] =	vst v63  }
0x1b6: {  	s11 =	simm.s32 $0xD100;
	v3 =	vadd.s32 v1, v3  }
0x1b7: {  	[tilespmem:s11], [sflag:$0x4] =	stream.indirect_vreg.gather [hbm4b:s6+s3], $0x80, v4, vm0, $0xb8;
	[tilespmem:$0x18100] =	vst v63  }
0x1b8: {  	s21 =	simm.s32 $0xD900  }
0x1b9: {  	[tilespmem:s21], [sflag:$0x4] =	stream.indirect_vreg.gather [hbm4b:s7+s3], $0x80, v4, vm0, $0xb8;
	[tilespmem:$0x18100] =	vst v63  }
0x1ba: {  	s11 =	simm.s32 $0xE100  }
0x1bb: {  	[tilespmem:s11], [sflag:$0x4] =	stream.indirect_vreg.gather [hbm4b:s2+s3], $0x80, v3, vm0, $0xb8;
	[tilespmem:$0x18100] =	vst v63  }
0x1bc: {  	s21 =	simm.s32 $0xE900  }
0x1bd: {  	[tilespmem:s21], [sflag:$0x4] =	stream.indirect_vreg.gather [hbm4b:s5+s3], $0x80, v3, vm0, $0xb8;
	[tilespmem:$0x18100] =	vst v63  }
0x1be: {  	s11 =	simm.s32 $0xF100  }
0x1bf: {  	[tilespmem:s11], [sflag:$0x4] =	stream.indirect_vreg.gather [hbm4b:s6+s3], $0x80, v3, vm0, $0xb8;
	[tilespmem:$0x18100] =	vst v63  }
0x1c0: {  	s21 =	simm.s32 $0xF900  }
0x1c1: {  	[tilespmem:s21], [sflag:$0x4] =	stream.indirect_vreg.gather [hbm4b:s7+s3], $0x80, v3, vm0, $0xb8;
	[tilespmem:$0x18100] =	vst v63  }
0x1c2: {  	_ =	swait.ge [sflag:s31], $0x4000  }
0x1c3: {  	[sflag:s31] =	ssyncset.done $0x0  }
0x1c4: {  	s0 =	rddreg [dreg:$0x10];
	[sflag:s31] =	ssyncadd.s32 $0xFFFFC000  }
0x1c5: {  	[hbm4b:s0+s3] =	stream.linear.scatter [tilespmem:s18], [sflag:$0x7], $0x4000, $0x38;
	[tilespmem:$0x18100] =	vst v63  }
0x1c6: {  	_ =	swait.ge [sflag:s22], $0x4000  }
0x1c7: {  	[sflag:s22] =	ssyncset.done $0x0  }
0x1c8: {  	s21 =	rddreg [dreg:$0x11];
	[sflag:s22] =	ssyncadd.s32 $0xFFFFC000  }
0x1c9: {  	[hbm4b:s21+s3] =	stream.linear.scatter [tilespmem:s26], [sflag:$0x8], $0x4000, $0x38;
	[tilespmem:$0x18100] =	vst v63  }
0x1ca: {  	_ =	swait.ge [sflag:s23], $0x4000  }
0x1cb: {  	[sflag:s23] =	ssyncset.done $0x0  }
0x1cc: {  	s0 =	rddreg [dreg:$0x12];
	[sflag:s23] =	ssyncadd.s32 $0xFFFFC000  }
0x1cd: {  	[hbm4b:s0+s3] =	stream.linear.scatter [tilespmem:s29], [sflag:$0x9], $0x4000, $0x38;
	[tilespmem:$0x18100] =	vst v63  }
0x1ce: {  	_ =	swait.ge [sflag:s25], $0x4000  }
0x1cf: {  	[sflag:s25] =	ssyncset.done $0x0  }
0x1d0: {  	s21 =	rddreg [dreg:$0x13];
	[sflag:s25] =	ssyncadd.s32 $0xFFFFC000  }
0x1d1: {  	[hbm4b:s21+s3] =	stream.linear.scatter [tilespmem:s9], [sflag:$0xA], $0x4000, $0x38;
	[tilespmem:$0x18100] =	vst v63  }
0x1d2: {  	_ =	swait.ge [sflag:s4], $0x4000  }
0x1d3: {  	[sflag:s4] =	ssyncset.done $0x0  }
0x1d4: {  	[sflag:s4] =	ssyncadd.s32 $0xFFFFC000  }
0x1d5: {  	_ =	swait.ge [sflag:s12], $0x4000  }
0x1d6: {  	[sflag:s12] =	ssyncset.done $0x0  }
0x1d7: {  	[sflag:s12] =	ssyncadd.s32 $0xFFFFC000  }
0x1d8: {  	_ =	swait.ge [sflag:s24], $0x4000  }
0x1d9: {  	[sflag:s24] =	ssyncset.done $0x0  }
0x1da: {  	[sflag:s24] =	ssyncadd.s32 $0xFFFFC000  }
0x1db: {  	_ =	swait.ge [sflag:s28], $0x4000  }
0x1dc: {  	[sflag:s28] =	ssyncset.done $0x0  }
0x1dd: {  	[sflag:s28] =	ssyncadd.s32 $0xFFFFC000  }
0x1de: {  	p0 =	sne.s32 s8, $0x1;
	_ =	swait.ge [sflag:s30], $0x4000  }
.Ltmp0:
0x1df: {  	[sflag:s30] =	ssyncset.done $0x0;
	(pc) =	sbr.rel @p0 .LBB2_1-.Ltmp0, $4  }
0x1e0: {  	[sflag:s30] =	ssyncadd.s32 $0xFFFFC000  }
0x1e1: {  	_ =	swait.ge [sflag:s1], $0x4000  }
0x1e2: {  	[sflag:s1] =	ssyncset.done $0x0  }
0x1e3: {  	s8 =	sadd.s32 $0xFFFFFFFF, s8;
	[sflag:s1] =	ssyncadd.s32 $0xFFFFC000  }
0x1e4: {  	_ =	sfence.sel $0x180000  }
0x1e5: {  	[bflag:$0x0] =	sbarrier.arrive $0xFFFF  }
0x1e6: {  	_ =	strace $0x90000047  }
0x1e7: {  	s0 =	stileid.u32;
	[bflag:$0x2] =	sbarrier.arrive $0xFFFF  }
0x1e8: {  	p0 =	sne.s32 s0, $0x0;
	s0 =	rddreg [dreg:$0x3]  }
0x1e9: {  	s0 =	sadd.s32 @!p0 $0x100000, s0  }
0x1ea: {  	[sflag:s0] =	ssyncadd.tile.s32 @!p0 $0x1;
	_ =	shalt  }
.Lfunc_end2:
_tile_overlayer_lowered:
.L_overlay_start_2:
0x1eb: {  	(tag) =	ssettag $0x2  }
0x1ec: {  	s0 =	rddreg [dreg:$0x0];
	s2 =	stileid.u32  }
0x1ed: {  	s1 =	rddreg [dreg:$0x1];
	p0 =	sne.s32 s2, $0x0  }
0x1ee: {  	s3 =	rddreg [dreg:$0x2];
	[bflag:$0x3] =	sbarrier.arrive $0xFFFF;
	s2 =	simm.s32 @!p0 $0x1C0D  }
0x1ef: {  	[timem:s3], [sflag:s2] =	dma.local @!p0 [hbm:s0], s1  }
0x1f0: {  	s0 =	simm.s32 @!p0 $0xD  }
0x1f1: {  	_ =	swait.ge @!p0 [sflag:s0], s1  }
0x1f2: {  	s1 =	ssub.s32 @!p0 $0x0, s1;
	[sflag:s0] =	ssyncset.done @!p0 $0x0  }
0x1f3: {  	[sflag:s0] =	ssyncadd.s32 @!p0 s1  }
0x1f4: {  	[bflag:$0x3] =	sbarrier.arrive $0xFFFF  }
0x1f5: {  	_ =	shalt  }

</sc_bundles>
